<compile_context>
chip_gen: v7x
topology: tpu7x:2x2x1
jax: 0.10.2.dev20260603
libtpu: 0.0.44.dev20260713+nightly
codegen_flags: <defaults>
</compile_context>

<pallas_src>
import functools

import jax
import jax.numpy as jnp
from jax import lax
from jax.experimental import pallas as pl
from jax.experimental.pallas import tpu as pltpu
from jax.experimental.pallas import tpu_sc as plsc

_N_ITEMS = 1000000
_N_OUT = 1000
_D = 64
_B = 4096
_CK = 8
_CW = 128


def _make_sc_gather(B, D):
    info = plsc.get_sparse_core_info()
    NC, NS, L = info.num_cores, info.num_subcores, info.num_lanes
    NW = NC * NS
    b_per_w = B // NW
    n_chunks = b_per_w // _CK
    mesh = plsc.VectorSubcoreMesh(core_axis_name="c", subcore_axis_name="s")

    @functools.partial(
        pl.kernel,
        mesh=mesh,
        out_type=jax.ShapeDtypeStruct((D, B), jnp.float32),
        compiler_params=pltpu.CompilerParams(needs_layout_passes=False),
        scratch_types=[
            pltpu.VMEM((b_per_w + L, ), jnp.int32),
            pltpu.VMEM((_CK, D, _CW), jnp.float32),
            pltpu.VMEM((D, b_per_w), jnp.float32),
            pltpu.SemaphoreType.DMA,
        ],
    )
    def gather_k(table_hbm, idx_hbm, out_hbm, idx_v, ring_v, zt_v, sem):
        lane = lax.iota(jnp.int32, L)
        wid = lax.axis_index("s") * NC + lax.axis_index("c")
        base = wid * b_per_w
        pltpu.sync_copy(
            idx_hbm.at[pl.ds(base, b_per_w)], idx_v.at[pl.ds(0, b_per_w)]
        )

        @pl.loop(0, n_chunks)
        def _(ch):
            k0 = ch * _CK
            ivec = idx_v[pl.ds(k0, L)]
            cvec = (ivec >> 7) << 7
            lvec = ivec & (_CW - 1)

            copies = []
            lscal = []
            for j in range(_CK):
                c = jnp.sum(jnp.where(lane == j, cvec, 0))
                lscal.append(jnp.sum(jnp.where(lane == j, lvec, 0)))
                col0 = pl.multiple_of(c, _CW)
                copies.append(
                    pltpu.async_copy(
                        table_hbm.at[:, pl.ds(col0, _CW)], ring_v.at[j], sem
                    )
                )
            for cp in copies:
                cp.wait()

            for j in range(_CK):
                lj = lscal[j]
                for c4 in range(D // L):
                    rows = lane + c4 * L
                    vals = plsc.load_gather(
                        ring_v.at[j], [rows, jnp.full((L,), lj, jnp.int32)]
                    )
                    plsc.store_scatter(
                        zt_v, [rows, jnp.full((L,), k0 + j, jnp.int32)], vals
                    )

        pltpu.sync_copy(zt_v, out_hbm.at[:, pl.ds(base, b_per_w)])

    return gather_k


def _dense_body(w_ref, zt_ref, b_ref, o_ref):
    logits = (
        lax.dot_general(
            w_ref[...], zt_ref[...],
            (((0,), (0,)), ((), ())),
            preferred_element_type=jnp.float32,
        )
        + b_ref[...]
    )
    m = jnp.max(logits, axis=0, keepdims=True)
    e = jnp.exp(logits - m)
    o_ref[...] = e / jnp.sum(e, axis=0, keepdims=True)


def _dense_t(wt, zt, bcol, bm):
    B = zt.shape[1]
    n_out = wt.shape[1]
    return pl.pallas_call(
        _dense_body,
        grid=(B // bm,),
        in_specs=[
            pl.BlockSpec((_D, n_out), lambda i: (0, 0)),
            pl.BlockSpec((_D, bm), lambda i: (0, i)),
            pl.BlockSpec((n_out, 1), lambda i: (0, 0)),
        ],
        out_specs=pl.BlockSpec((n_out, bm), lambda i: (0, i)),
        out_shape=jax.ShapeDtypeStruct((n_out, B), jnp.float32),
    )(wt, zt, bcol)


def kernel(item_ids, emb_table, fc_w, fc_b):
    idx = item_ids.astype(jnp.int32)
    table_t = emb_table.T
    zt = _make_sc_gather(_B, _D)(table_t, idx)
    bcol = fc_b.reshape(_N_OUT, 1)
    out_t = _dense_t(fc_w.T, zt, bcol, bm=1024)
    return out_t.T

# --- scband reference (transcript-rebuilt; emitter-appended) ---
"""Pipeline reference for scband-skip-gram-60636348285517 (READ-ONLY COPY).

The authoritative reference and input builder live on the scoring server;
editing this copy changes nothing except your own understanding.
"""

import jax, jax.numpy as jnp
import numpy as np

N_ITEMS = 1000000
N_OUTPUT = 1000
EMB_DIM = 64
BATCH = 4096

def setup_inputs(seed: int = 0) -> dict:
    key = jax.random.key(seed)
    k1, k2, k3, k4 = jax.random.split(key, 4)
    item_ids = jax.random.randint(k1, (BATCH,), 0, N_ITEMS, dtype=jnp.int64) if jax.config.jax_enable_x64 else jax.random.randint(k1, (BATCH,), 0, N_ITEMS, dtype=jnp.int32)
    emb_table = jax.random.normal(k2, (N_ITEMS, EMB_DIM), dtype=jnp.float32)
    # nn.Linear(emb_dim, n_output): weight [n_output, emb_dim], bias [n_output]
    bound = 1.0 / np.sqrt(EMB_DIM)
    fc_w = jax.random.uniform(k3, (N_OUTPUT, EMB_DIM), dtype=jnp.float32, minval=-bound, maxval=bound)
    fc_b = jax.random.uniform(k4, (N_OUTPUT,), dtype=jnp.float32, minval=-bound, maxval=bound)
    return {"item_ids": item_ids, "emb_table": emb_table, "fc_w": fc_w, "fc_b": fc_b}

def reference(item_ids, emb_table, fc_w, fc_b):
    # z = self.embeddings(item_ids)
    z = jnp.take(emb_table, item_ids, axis=0)
    # z = self.fc(z)
    z = z @ fc_w.T + fc_b
    # z = self.softmax(z) over last dim
    z = jax.nn.softmax(z, axis=-1)
    return z

if __name__ == "__main__":
    import jax
    _d = setup_inputs()
    print(jax.jit(kernel)(*tuple(_d.values())))

</pallas_src>

<mosaic_0001>
#map = affine_map<(d0, d1) -> (0, 0)>
#map1 = affine_map<(d0, d1) -> (0)>
module attributes {stable_mosaic.version = 14 : i64} {
  func.func @gather_k(%arg0: i32, %arg1: i32, %arg2: memref<64x1000000xf32, #tpu.memory_space<hbm>>, %arg3: memref<4096xi32, #tpu.memory_space<hbm>>, %arg4: memref<64x4096xf32, #tpu.memory_space<hbm>>, %arg5: memref<144xi32, #tpu.memory_space<vmem>>, %arg6: memref<8x64x128xf32, #tpu.memory_space<vmem>>, %arg7: memref<64x128xf32, #tpu.memory_space<vmem>>, %arg8: memref<!tpu.dma_semaphore, #tpu.memory_space<semaphore_mem>>) attributes {dimension_semantics = [#tpu.dimension_semantics<core_parallel>, #tpu.dimension_semantics<subcore_parallel>], iteration_bounds = array<i64: 2, 16>, scalar_prefetch = 0 : i64, scratch_operands = 4 : i64, tpu.core_type = #tpu.core_type<sc_vector_subcore>, window_params = [{transform_indices = #map}, {transform_indices = #map1}, {transform_indices = #map}]} {
    %iota3A = tpu.iota {dimensions = array<i32: 0>} : vector<16xi32>
    %mul3A = arith.constant 2 : i32
    %mul3A_0 = arith.muli %arg1, %mul3A : i32
    %add3A = arith.addi %mul3A_0, %arg0 : i32
    %mul3A_1 = arith.constant 128 : i32
    %mul3A_2 = arith.muli %add3A, %mul3A_1 : i32
    "tpu.region"() ({
      %run_scoped3A = tpu.sem_alloc : memref<!tpu.dma_semaphore, #tpu.memory_space<semaphore_mem>>
      %dma_start3A = arith.constant 0 : i32
      %dma_start3A_7 = tpu.memref_slice %arg5[%dma_start3A] : memref<144xi32, #tpu.memory_space<vmem>> -> memref<128xi32, #tpu.memory_space<vmem>>
      %dma_start3A_8 = tpu.memref_slice %arg3[%mul3A_2] : memref<4096xi32, #tpu.memory_space<hbm>> -> memref<128xi32, #tpu.memory_space<hbm>>
      %dma_start3A_9 = arith.constant 0 : i32
      %dma_start3A_10 = tpu.memref_slice %arg5[%dma_start3A_9] : memref<144xi32, #tpu.memory_space<vmem>> -> memref<128xi32, #tpu.memory_space<vmem>>
      %dma_start3A_11 = tpu.memref_slice %arg3[%mul3A_2] : memref<4096xi32, #tpu.memory_space<hbm>> -> memref<128xi32, #tpu.memory_space<hbm>>
      tpu.enqueue_dma source(%dma_start3A_11 : memref<128xi32, #tpu.memory_space<hbm>>) target(%dma_start3A_10 : memref<128xi32, #tpu.memory_space<vmem>>) target_semaphore(%run_scoped3A : memref<!tpu.dma_semaphore, #tpu.memory_space<semaphore_mem>>)
      %dma_wait3A = arith.constant 0 : i32
      %dma_wait3A_12 = tpu.memref_slice %arg5[%dma_wait3A] : memref<144xi32, #tpu.memory_space<vmem>> -> memref<128xi32, #tpu.memory_space<vmem>>
      %dma_wait3A_13 = tpu.memref_slice %arg3[%mul3A_2] : memref<4096xi32, #tpu.memory_space<hbm>> -> memref<128xi32, #tpu.memory_space<hbm>>
      %dma_wait3A_14 = arith.constant 0 : i32
      %dma_wait3A_15 = tpu.memref_slice %arg5[%dma_wait3A_14] : memref<144xi32, #tpu.memory_space<vmem>> -> memref<128xi32, #tpu.memory_space<vmem>>
      %dma_wait3A_16 = tpu.memref_slice %arg3[%mul3A_2] : memref<4096xi32, #tpu.memory_space<hbm>> -> memref<128xi32, #tpu.memory_space<hbm>>
      tpu.wait_dma2 semaphore(%run_scoped3A : memref<!tpu.dma_semaphore, #tpu.memory_space<semaphore_mem>>) src(%dma_wait3A_16 : memref<128xi32, #tpu.memory_space<hbm>>) dst(%dma_wait3A_15 : memref<128xi32, #tpu.memory_space<vmem>>)
      tpu.yield
    }) : () -> ()
    %scan3A = arith.constant 0 : i32
    %scan3A_3 = arith.constant 16 : i32
    %scan3A_4 = arith.addi %scan3A, %scan3A_3 : i32
    %scan3A_5 = arith.constant 1 : i32
    scf.for %scan3A_7 = %scan3A to %scan3A_4 step %scan3A_5  : i32 {
      %mul3A_8 = arith.constant 1 : i32
      %mul3A_9 = arith.muli %scan3A_7, %mul3A_8 : i32
      %add3A_10 = arith.constant 0 : i32
      %add3A_11 = arith.addi %add3A_10, %mul3A_9 : i32
      %mul3A_12 = arith.constant 8 : i32
      %mul3A_13 = arith.muli %add3A_11, %mul3A_12 : i32
      %get3A = arith.index_cast %mul3A_13 : i32 to index
      %get3A_14 = tpu.vector_load %arg5[%get3A] {strides = array<i32>} : memref<144xi32, #tpu.memory_space<vmem>>, vector<16xi32>,
      %shift_right_arithmetic3A = arith.constant 7 : i32
      %shift_right_arithmetic3A_15 = vector.broadcast %shift_right_arithmetic3A : i32 to vector<16xi32>
      %shift_right_arithmetic3A_16 = arith.shrsi %get3A_14, %shift_right_arithmetic3A_15 : vector<16xi32>
      %shift_left3A = arith.constant 7 : i32
      %shift_left3A_17 = vector.broadcast %shift_left3A : i32 to vector<16xi32>
      %shift_left3A_18 = arith.shli %shift_right_arithmetic3A_16, %shift_left3A_17 : vector<16xi32>
      %and3A = arith.constant 127 : i32
      %and3A_19 = vector.broadcast %and3A : i32 to vector<16xi32>
      %and3A_20 = arith.andi %get3A_14, %and3A_19 : vector<16xi32>
      %eq3A = arith.constant 0 : i32
      %eq3A_21 = vector.broadcast %eq3A : i32 to vector<16xi32>
      %eq3A_22 = arith.cmpi eq, %iota3A, %eq3A_21 : vector<16xi32>
      %jit3A = arith.constant 0 : i32
      %broadcast_in_dim3A = vector.broadcast %jit3A : i32 to vector<16xi32>
      %select_n3A = arith.select %eq3A_22, %shift_left3A_18, %broadcast_in_dim3A : vector<16xi1>, vector<16xi32>
      %reduce_sum3A = arith.constant true
      %reduce_sum3A_23 = vector.broadcast %reduce_sum3A : i1 to vector<16xi1>
      %reduce_sum3A_24 = tpu.scan <sum>, %select_n3A masked %reduce_sum3A_23 : vector<16xi32>, vector<16xi1> -> vector<16xi32>
      %reduce_sum3A_25 = vector.extract %reduce_sum3A_24[15] : i32 from vector<16xi32>
      %eq3A_26 = arith.constant 0 : i32
      %eq3A_27 = vector.broadcast %eq3A_26 : i32 to vector<16xi32>
      %eq3A_28 = arith.cmpi eq, %iota3A, %eq3A_27 : vector<16xi32>
      %jit3A_29 = arith.constant 0 : i32
      %broadcast_in_dim3A_30 = vector.broadcast %jit3A_29 : i32 to vector<16xi32>
      %select_n3A_31 = arith.select %eq3A_28, %and3A_20, %broadcast_in_dim3A_30 : vector<16xi1>, vector<16xi32>
      %reduce_sum3A_32 = arith.constant true
      %reduce_sum3A_33 = vector.broadcast %reduce_sum3A_32 : i1 to vector<16xi1>
      %reduce_sum3A_34 = tpu.scan <sum>, %select_n3A_31 masked %reduce_sum3A_33 : vector<16xi32>, vector<16xi1> -> vector<16xi32>
      %reduce_sum3A_35 = vector.extract %reduce_sum3A_34[15] : i32 from vector<16xi32>
      %multiple_of3A = tpu.assume_multiple %reduce_sum3A_25, 128 : i32
      %dma_start3A = arith.constant 0 : i32
      %dma_start3A_36 = arith.constant 0 : i32
      %dma_start3A_37 = arith.constant 0 : i32
      %dma_start3A_38 = tpu.memref_slice %arg6[%dma_start3A, %dma_start3A_36, %dma_start3A_37] : memref<8x64x128xf32, #tpu.memory_space<vmem>> -> memref<1x64x128xf32, #tpu.memory_space<vmem>>
      %dma_start3A_39 = tpu.memref_squeeze %dma_start3A_38 : memref<1x64x128xf32, #tpu.memory_space<vmem>> -> memref<64x128xf32, #tpu.memory_space<vmem>>
      %dma_start3A_40 = arith.constant 0 : i32
      %dma_start3A_41 = tpu.memref_slice %arg2[%dma_start3A_40, %multiple_of3A] : memref<64x1000000xf32, #tpu.memory_space<hbm>> -> memref<64x128xf32, #tpu.memory_space<hbm>>
      %dma_start3A_42 = arith.constant 0 : i32
      %dma_start3A_43 = arith.constant 0 : i32
      %dma_start3A_44 = tpu.memref_slice %arg6[%dma_start3A, %dma_start3A_42, %dma_start3A_43] : memref<8x64x128xf32, #tpu.memory_space<vmem>> -> memref<1x64x128xf32, #tpu.memory_space<vmem>>
      %dma_start3A_45 = tpu.memref_squeeze %dma_start3A_44 : memref<1x64x128xf32, #tpu.memory_space<vmem>> -> memref<64x128xf32, #tpu.memory_space<vmem>>
      %dma_start3A_46 = arith.constant 0 : i32
      %dma_start3A_47 = tpu.memref_slice %arg2[%dma_start3A_46, %multiple_of3A] : memref<64x1000000xf32, #tpu.memory_space<hbm>> -> memref<64x128xf32, #tpu.memory_space<hbm>>
      tpu.enqueue_dma source(%dma_start3A_47 : memref<64x128xf32, #tpu.memory_space<hbm>>) target(%dma_start3A_45 : memref<64x128xf32, #tpu.memory_space<vmem>>) target_semaphore(%arg8 : memref<!tpu.dma_semaphore, #tpu.memory_space<semaphore_mem>>)
      %eq3A_48 = arith.constant 1 : i32
      %eq3A_49 = vector.broadcast %eq3A_48 : i32 to vector<16xi32>
      %eq3A_50 = arith.cmpi eq, %iota3A, %eq3A_49 : vector<16xi32>
      %jit3A_51 = arith.constant 0 : i32
      %broadcast_in_dim3A_52 = vector.broadcast %jit3A_51 : i32 to vector<16xi32>
      %select_n3A_53 = arith.select %eq3A_50, %shift_left3A_18, %broadcast_in_dim3A_52 : vector<16xi1>, vector<16xi32>
      %reduce_sum3A_54 = arith.constant true
      %reduce_sum3A_55 = vector.broadcast %reduce_sum3A_54 : i1 to vector<16xi1>
      %reduce_sum3A_56 = tpu.scan <sum>, %select_n3A_53 masked %reduce_sum3A_55 : vector<16xi32>, vector<16xi1> -> vector<16xi32>
      %reduce_sum3A_57 = vector.extract %reduce_sum3A_56[15] : i32 from vector<16xi32>
      %eq3A_58 = arith.constant 1 : i32
      %eq3A_59 = vector.broadcast %eq3A_58 : i32 to vector<16xi32>
      %eq3A_60 = arith.cmpi eq, %iota3A, %eq3A_59 : vector<16xi32>
      %jit3A_61 = arith.constant 0 : i32
      %broadcast_in_dim3A_62 = vector.broadcast %jit3A_61 : i32 to vector<16xi32>
      %select_n3A_63 = arith.select %eq3A_60, %and3A_20, %broadcast_in_dim3A_62 : vector<16xi1>, vector<16xi32>
      %reduce_sum3A_64 = arith.constant true
      %reduce_sum3A_65 = vector.broadcast %reduce_sum3A_64 : i1 to vector<16xi1>
      %reduce_sum3A_66 = tpu.scan <sum>, %select_n3A_63 masked %reduce_sum3A_65 : vector<16xi32>, vector<16xi1> -> vector<16xi32>
      %reduce_sum3A_67 = vector.extract %reduce_sum3A_66[15] : i32 from vector<16xi32>
      %multiple_of3A_68 = tpu.assume_multiple %reduce_sum3A_57, 128 : i32
      %dma_start3A_69 = arith.constant 1 : i32
      %dma_start3A_70 = arith.constant 0 : i32
      %dma_start3A_71 = arith.constant 0 : i32
      %dma_start3A_72 = tpu.memref_slice %arg6[%dma_start3A_69, %dma_start3A_70, %dma_start3A_71] : memref<8x64x128xf32, #tpu.memory_space<vmem>> -> memref<1x64x128xf32, #tpu.memory_space<vmem>>
      %dma_start3A_73 = tpu.memref_squeeze %dma_start3A_72 : memref<1x64x128xf32, #tpu.memory_space<vmem>> -> memref<64x128xf32, #tpu.memory_space<vmem>>
      %dma_start3A_74 = arith.constant 0 : i32
      %dma_start3A_75 = tpu.memref_slice %arg2[%dma_start3A_74, %multiple_of3A_68] : memref<64x1000000xf32, #tpu.memory_space<hbm>> -> memref<64x128xf32, #tpu.memory_space<hbm>>
      %dma_start3A_76 = arith.constant 0 : i32
      %dma_start3A_77 = arith.constant 0 : i32
      %dma_start3A_78 = tpu.memref_slice %arg6[%dma_start3A_69, %dma_start3A_76, %dma_start3A_77] : memref<8x64x128xf32, #tpu.memory_space<vmem>> -> memref<1x64x128xf32, #tpu.memory_space<vmem>>
      %dma_start3A_79 = tpu.memref_squeeze %dma_start3A_78 : memref<1x64x128xf32, #tpu.memory_space<vmem>> -> memref<64x128xf32, #tpu.memory_space<vmem>>
      %dma_start3A_80 = arith.constant 0 : i32
      %dma_start3A_81 = tpu.memref_slice %arg2[%dma_start3A_80, %multiple_of3A_68] : memref<64x1000000xf32, #tpu.memory_space<hbm>> -> memref<64x128xf32, #tpu.memory_space<hbm>>
      tpu.enqueue_dma source(%dma_start3A_81 : memref<64x128xf32, #tpu.memory_space<hbm>>) target(%dma_start3A_79 : memref<64x128xf32, #tpu.memory_space<vmem>>) target_semaphore(%arg8 : memref<!tpu.dma_semaphore, #tpu.memory_space<semaphore_mem>>)
      %eq3A_82 = arith.constant 2 : i32
      %eq3A_83 = vector.broadcast %eq3A_82 : i32 to vector<16xi32>
      %eq3A_84 = arith.cmpi eq, %iota3A, %eq3A_83 : vector<16xi32>
      %jit3A_85 = arith.constant 0 : i32
      %broadcast_in_dim3A_86 = vector.broadcast %jit3A_85 : i32 to vector<16xi32>
      %select_n3A_87 = arith.select %eq3A_84, %shift_left3A_18, %broadcast_in_dim3A_86 : vector<16xi1>, vector<16xi32>
      %reduce_sum3A_88 = arith.constant true
      %reduce_sum3A_89 = vector.broadcast %reduce_sum3A_88 : i1 to vector<16xi1>
      %reduce_sum3A_90 = tpu.scan <sum>, %select_n3A_87 masked %reduce_sum3A_89 : vector<16xi32>, vector<16xi1> -> vector<16xi32>
      %reduce_sum3A_91 = vector.extract %reduce_sum3A_90[15] : i32 from vector<16xi32>
      %eq3A_92 = arith.constant 2 : i32
      %eq3A_93 = vector.broadcast %eq3A_92 : i32 to vector<16xi32>
      %eq3A_94 = arith.cmpi eq, %iota3A, %eq3A_93 : vector<16xi32>
      %jit3A_95 = arith.constant 0 : i32
      %broadcast_in_dim3A_96 = vector.broadcast %jit3A_95 : i32 to vector<16xi32>
      %select_n3A_97 = arith.select %eq3A_94, %and3A_20, %broadcast_in_dim3A_96 : vector<16xi1>, vector<16xi32>
      %reduce_sum3A_98 = arith.constant true
      %reduce_sum3A_99 = vector.broadcast %reduce_sum3A_98 : i1 to vector<16xi1>
      %reduce_sum3A_100 = tpu.scan <sum>, %select_n3A_97 masked %reduce_sum3A_99 : vector<16xi32>, vector<16xi1> -> vector<16xi32>
      %reduce_sum3A_101 = vector.extract %reduce_sum3A_100[15] : i32 from vector<16xi32>
      %multiple_of3A_102 = tpu.assume_multiple %reduce_sum3A_91, 128 : i32
      %dma_start3A_103 = arith.constant 2 : i32
      %dma_start3A_104 = arith.constant 0 : i32
      %dma_start3A_105 = arith.constant 0 : i32
      %dma_start3A_106 = tpu.memref_slice %arg6[%dma_start3A_103, %dma_start3A_104, %dma_start3A_105] : memref<8x64x128xf32, #tpu.memory_space<vmem>> -> memref<1x64x128xf32, #tpu.memory_space<vmem>>
      %dma_start3A_107 = tpu.memref_squeeze %dma_start3A_106 : memref<1x64x128xf32, #tpu.memory_space<vmem>> -> memref<64x128xf32, #tpu.memory_space<vmem>>
      %dma_start3A_108 = arith.constant 0 : i32
      %dma_start3A_109 = tpu.memref_slice %arg2[%dma_start3A_108, %multiple_of3A_102] : memref<64x1000000xf32, #tpu.memory_space<hbm>> -> memref<64x128xf32, #tpu.memory_space<hbm>>
      %dma_start3A_110 = arith.constant 0 : i32
      %dma_start3A_111 = arith.constant 0 : i32
      %dma_start3A_112 = tpu.memref_slice %arg6[%dma_start3A_103, %dma_start3A_110, %dma_start3A_111] : memref<8x64x128xf32, #tpu.memory_space<vmem>> -> memref<1x64x128xf32, #tpu.memory_space<vmem>>
      %dma_start3A_113 = tpu.memref_squeeze %dma_start3A_112 : memref<1x64x128xf32, #tpu.memory_space<vmem>> -> memref<64x128xf32, #tpu.memory_space<vmem>>
      %dma_start3A_114 = arith.constant 0 : i32
      %dma_start3A_115 = tpu.memref_slice %arg2[%dma_start3A_114, %multiple_of3A_102] : memref<64x1000000xf32, #tpu.memory_space<hbm>> -> memref<64x128xf32, #tpu.memory_space<hbm>>
      tpu.enqueue_dma source(%dma_start3A_115 : memref<64x128xf32, #tpu.memory_space<hbm>>) target(%dma_start3A_113 : memref<64x128xf32, #tpu.memory_space<vmem>>) target_semaphore(%arg8 : memref<!tpu.dma_semaphore, #tpu.memory_space<semaphore_mem>>)
      %eq3A_116 = arith.constant 3 : i32
      %eq3A_117 = vector.broadcast %eq3A_116 : i32 to vector<16xi32>
      %eq3A_118 = arith.cmpi eq, %iota3A, %eq3A_117 : vector<16xi32>
      %jit3A_119 = arith.constant 0 : i32
      %broadcast_in_dim3A_120 = vector.broadcast %jit3A_119 : i32 to vector<16xi32>
      %select_n3A_121 = arith.select %eq3A_118, %shift_left3A_18, %broadcast_in_dim3A_120 : vector<16xi1>, vector<16xi32>
      %reduce_sum3A_122 = arith.constant true
      %reduce_sum3A_123 = vector.broadcast %reduce_sum3A_122 : i1 to vector<16xi1>
      %reduce_sum3A_124 = tpu.scan <sum>, %select_n3A_121 masked %reduce_sum3A_123 : vector<16xi32>, vector<16xi1> -> vector<16xi32>
      %reduce_sum3A_125 = vector.extract %reduce_sum3A_124[15] : i32 from vector<16xi32>
      %eq3A_126 = arith.constant 3 : i32
      %eq3A_127 = vector.broadcast %eq3A_126 : i32 to vector<16xi32>
      %eq3A_128 = arith.cmpi eq, %iota3A, %eq3A_127 : vector<16xi32>
      %jit3A_129 = arith.constant 0 : i32
      %broadcast_in_dim3A_130 = vector.broadcast %jit3A_129 : i32 to vector<16xi32>
      %select_n3A_131 = arith.select %eq3A_128, %and3A_20, %broadcast_in_dim3A_130 : vector<16xi1>, vector<16xi32>
      %reduce_sum3A_132 = arith.constant true
      %reduce_sum3A_133 = vector.broadcast %reduce_sum3A_132 : i1 to vector<16xi1>
      %reduce_sum3A_134 = tpu.scan <sum>, %select_n3A_131 masked %reduce_sum3A_133 : vector<16xi32>, vector<16xi1> -> vector<16xi32>
      %reduce_sum3A_135 = vector.extract %reduce_sum3A_134[15] : i32 from vector<16xi32>
      %multiple_of3A_136 = tpu.assume_multiple %reduce_sum3A_125, 128 : i32
      %dma_start3A_137 = arith.constant 3 : i32
      %dma_start3A_138 = arith.constant 0 : i32
      %dma_start3A_139 = arith.constant 0 : i32
      %dma_start3A_140 = tpu.memref_slice %arg6[%dma_start3A_137, %dma_start3A_138, %dma_start3A_139] : memref<8x64x128xf32, #tpu.memory_space<vmem>> -> memref<1x64x128xf32, #tpu.memory_space<vmem>>
      %dma_start3A_141 = tpu.memref_squeeze %dma_start3A_140 : memref<1x64x128xf32, #tpu.memory_space<vmem>> -> memref<64x128xf32, #tpu.memory_space<vmem>>
      %dma_start3A_142 = arith.constant 0 : i32
      %dma_start3A_143 = tpu.memref_slice %arg2[%dma_start3A_142, %multiple_of3A_136] : memref<64x1000000xf32, #tpu.memory_space<hbm>> -> memref<64x128xf32, #tpu.memory_space<hbm>>
      %dma_start3A_144 = arith.constant 0 : i32
      %dma_start3A_145 = arith.constant 0 : i32
      %dma_start3A_146 = tpu.memref_slice %arg6[%dma_start3A_137, %dma_start3A_144, %dma_start3A_145] : memref<8x64x128xf32, #tpu.memory_space<vmem>> -> memref<1x64x128xf32, #tpu.memory_space<vmem>>
      %dma_start3A_147 = tpu.memref_squeeze %dma_start3A_146 : memref<1x64x128xf32, #tpu.memory_space<vmem>> -> memref<64x128xf32, #tpu.memory_space<vmem>>
      %dma_start3A_148 = arith.constant 0 : i32
      %dma_start3A_149 = tpu.memref_slice %arg2[%dma_start3A_148, %multiple_of3A_136] : memref<64x1000000xf32, #tpu.memory_space<hbm>> -> memref<64x128xf32, #tpu.memory_space<hbm>>
      tpu.enqueue_dma source(%dma_start3A_149 : memref<64x128xf32, #tpu.memory_space<hbm>>) target(%dma_start3A_147 : memref<64x128xf32, #tpu.memory_space<vmem>>) target_semaphore(%arg8 : memref<!tpu.dma_semaphore, #tpu.memory_space<semaphore_mem>>)
      %eq3A_150 = arith.constant 4 : i32
      %eq3A_151 = vector.broadcast %eq3A_150 : i32 to vector<16xi32>
      %eq3A_152 = arith.cmpi eq, %iota3A, %eq3A_151 : vector<16xi32>
      %jit3A_153 = arith.constant 0 : i32
      %broadcast_in_dim3A_154 = vector.broadcast %jit3A_153 : i32 to vector<16xi32>
      %select_n3A_155 = arith.select %eq3A_152, %shift_left3A_18, %broadcast_in_dim3A_154 : vector<16xi1>, vector<16xi32>
      %reduce_sum3A_156 = arith.constant true
      %reduce_sum3A_157 = vector.broadcast %reduce_sum3A_156 : i1 to vector<16xi1>
      %reduce_sum3A_158 = tpu.scan <sum>, %select_n3A_155 masked %reduce_sum3A_157 : vector<16xi32>, vector<16xi1> -> vector<16xi32>
      %reduce_sum3A_159 = vector.extract %reduce_sum3A_158[15] : i32 from vector<16xi32>
      %eq3A_160 = arith.constant 4 : i32
      %eq3A_161 = vector.broadcast %eq3A_160 : i32 to vector<16xi32>
      %eq3A_162 = arith.cmpi eq, %iota3A, %eq3A_161 : vector<16xi32>
      %jit3A_163 = arith.constant 0 : i32
      %broadcast_in_dim3A_164 = vector.broadcast %jit3A_163 : i32 to vector<16xi32>
      %select_n3A_165 = arith.select %eq3A_162, %and3A_20, %broadcast_in_dim3A_164 : vector<16xi1>, vector<16xi32>
      %reduce_sum3A_166 = arith.constant true
      %reduce_sum3A_167 = vector.broadcast %reduce_sum3A_166 : i1 to vector<16xi1>
      %reduce_sum3A_168 = tpu.scan <sum>, %select_n3A_165 masked %reduce_sum3A_167 : vector<16xi32>, vector<16xi1> -> vector<16xi32>
      %reduce_sum3A_169 = vector.extract %reduce_sum3A_168[15] : i32 from vector<16xi32>
      %multiple_of3A_170 = tpu.assume_multiple %reduce_sum3A_159, 128 : i32
      %dma_start3A_171 = arith.constant 4 : i32
      %dma_start3A_172 = arith.constant 0 : i32
      %dma_start3A_173 = arith.constant 0 : i32
      %dma_start3A_174 = tpu.memref_slice %arg6[%dma_start3A_171, %dma_start3A_172, %dma_start3A_173] : memref<8x64x128xf32, #tpu.memory_space<vmem>> -> memref<1x64x128xf32, #tpu.memory_space<vmem>>
      %dma_start3A_175 = tpu.memref_squeeze %dma_start3A_174 : memref<1x64x128xf32, #tpu.memory_space<vmem>> -> memref<64x128xf32, #tpu.memory_space<vmem>>
      %dma_start3A_176 = arith.constant 0 : i32
      %dma_start3A_177 = tpu.memref_slice %arg2[%dma_start3A_176, %multiple_of3A_170] : memref<64x1000000xf32, #tpu.memory_space<hbm>> -> memref<64x128xf32, #tpu.memory_space<hbm>>
      %dma_start3A_178 = arith.constant 0 : i32
      %dma_start3A_179 = arith.constant 0 : i32
      %dma_start3A_180 = tpu.memref_slice %arg6[%dma_start3A_171, %dma_start3A_178, %dma_start3A_179] : memref<8x64x128xf32, #tpu.memory_space<vmem>> -> memref<1x64x128xf32, #tpu.memory_space<vmem>>
      %dma_start3A_181 = tpu.memref_squeeze %dma_start3A_180 : memref<1x64x128xf32, #tpu.memory_space<vmem>> -> memref<64x128xf32, #tpu.memory_space<vmem>>
      %dma_start3A_182 = arith.constant 0 : i32
      %dma_start3A_183 = tpu.memref_slice %arg2[%dma_start3A_182, %multiple_of3A_170] : memref<64x1000000xf32, #tpu.memory_space<hbm>> -> memref<64x128xf32, #tpu.memory_space<hbm>>
      tpu.enqueue_dma source(%dma_start3A_183 : memref<64x128xf32, #tpu.memory_space<hbm>>) target(%dma_start3A_181 : memref<64x128xf32, #tpu.memory_space<vmem>>) target_semaphore(%arg8 : memref<!tpu.dma_semaphore, #tpu.memory_space<semaphore_mem>>)
      %eq3A_184 = arith.constant 5 : i32
      %eq3A_185 = vector.broadcast %eq3A_184 : i32 to vector<16xi32>
      %eq3A_186 = arith.cmpi eq, %iota3A, %eq3A_185 : vector<16xi32>
      %jit3A_187 = arith.constant 0 : i32
      %broadcast_in_dim3A_188 = vector.broadcast %jit3A_187 : i32 to vector<16xi32>
      %select_n3A_189 = arith.select %eq3A_186, %shift_left3A_18, %broadcast_in_dim3A_188 : vector<16xi1>, vector<16xi32>
      %reduce_sum3A_190 = arith.constant true
      %reduce_sum3A_191 = vector.broadcast %reduce_sum3A_190 : i1 to vector<16xi1>
      %reduce_sum3A_192 = tpu.scan <sum>, %select_n3A_189 masked %reduce_sum3A_191 : vector<16xi32>, vector<16xi1> -> vector<16xi32>
      %reduce_sum3A_193 = vector.extract %reduce_sum3A_192[15] : i32 from vector<16xi32>
      %eq3A_194 = arith.constant 5 : i32
      %eq3A_195 = vector.broadcast %eq3A_194 : i32 to vector<16xi32>
      %eq3A_196 = arith.cmpi eq, %iota3A, %eq3A_195 : vector<16xi32>
      %jit3A_197 = arith.constant 0 : i32
      %broadcast_in_dim3A_198 = vector.broadcast %jit3A_197 : i32 to vector<16xi32>
      %select_n3A_199 = arith.select %eq3A_196, %and3A_20, %broadcast_in_dim3A_198 : vector<16xi1>, vector<16xi32>
      %reduce_sum3A_200 = arith.constant true
      %reduce_sum3A_201 = vector.broadcast %reduce_sum3A_200 : i1 to vector<16xi1>
      %reduce_sum3A_202 = tpu.scan <sum>, %select_n3A_199 masked %reduce_sum3A_201 : vector<16xi32>, vector<16xi1> -> vector<16xi32>
      %reduce_sum3A_203 = vector.extract %reduce_sum3A_202[15] : i32 from vector<16xi32>
      %multiple_of3A_204 = tpu.assume_multiple %reduce_sum3A_193, 128 : i32
      %dma_start3A_205 = arith.constant 5 : i32
      %dma_start3A_206 = arith.constant 0 : i32
      %dma_start3A_207 = arith.constant 0 : i32
      %dma_start3A_208 = tpu.memref_slice %arg6[%dma_start3A_205, %dma_start3A_206, %dma_start3A_207] : memref<8x64x128xf32, #tpu.memory_space<vmem>> -> memref<1x64x128xf32, #tpu.memory_space<vmem>>
      %dma_start3A_209 = tpu.memref_squeeze %dma_start3A_208 : memref<1x64x128xf32, #tpu.memory_space<vmem>> -> memref<64x128xf32, #tpu.memory_space<vmem>>
      %dma_start3A_210 = arith.constant 0 : i32
      %dma_start3A_211 = tpu.memref_slice %arg2[%dma_start3A_210, %multiple_of3A_204] : memref<64x1000000xf32, #tpu.memory_space<hbm>> -> memref<64x128xf32, #tpu.memory_space<hbm>>
      %dma_start3A_212 = arith.constant 0 : i32
      %dma_start3A_213 = arith.constant 0 : i32
      %dma_start3A_214 = tpu.memref_slice %arg6[%dma_start3A_205, %dma_start3A_212, %dma_start3A_213] : memref<8x64x128xf32, #tpu.memory_space<vmem>> -> memref<1x64x128xf32, #tpu.memory_space<vmem>>
      %dma_start3A_215 = tpu.memref_squeeze %dma_start3A_214 : memref<1x64x128xf32, #tpu.memory_space<vmem>> -> memref<64x128xf32, #tpu.memory_space<vmem>>
      %dma_start3A_216 = arith.constant 0 : i32
      %dma_start3A_217 = tpu.memref_slice %arg2[%dma_start3A_216, %multiple_of3A_204] : memref<64x1000000xf32, #tpu.memory_space<hbm>> -> memref<64x128xf32, #tpu.memory_space<hbm>>
      tpu.enqueue_dma source(%dma_start3A_217 : memref<64x128xf32, #tpu.memory_space<hbm>>) target(%dma_start3A_215 : memref<64x128xf32, #tpu.memory_space<vmem>>) target_semaphore(%arg8 : memref<!tpu.dma_semaphore, #tpu.memory_space<semaphore_mem>>)
      %eq3A_218 = arith.constant 6 : i32
      %eq3A_219 = vector.broadcast %eq3A_218 : i32 to vector<16xi32>
      %eq3A_220 = arith.cmpi eq, %iota3A, %eq3A_219 : vector<16xi32>
      %jit3A_221 = arith.constant 0 : i32
      %broadcast_in_dim3A_222 = vector.broadcast %jit3A_221 : i32 to vector<16xi32>
      %select_n3A_223 = arith.select %eq3A_220, %shift_left3A_18, %broadcast_in_dim3A_222 : vector<16xi1>, vector<16xi32>
      %reduce_sum3A_224 = arith.constant true
      %reduce_sum3A_225 = vector.broadcast %reduce_sum3A_224 : i1 to vector<16xi1>
      %reduce_sum3A_226 = tpu.scan <sum>, %select_n3A_223 masked %reduce_sum3A_225 : vector<16xi32>, vector<16xi1> -> vector<16xi32>
      %reduce_sum3A_227 = vector.extract %reduce_sum3A_226[15] : i32 from vector<16xi32>
      %eq3A_228 = arith.constant 6 : i32
      %eq3A_229 = vector.broadcast %eq3A_228 : i32 to vector<16xi32>
      %eq3A_230 = arith.cmpi eq, %iota3A, %eq3A_229 : vector<16xi32>
      %jit3A_231 = arith.constant 0 : i32
      %broadcast_in_dim3A_232 = vector.broadcast %jit3A_231 : i32 to vector<16xi32>
      %select_n3A_233 = arith.select %eq3A_230, %and3A_20, %broadcast_in_dim3A_232 : vector<16xi1>, vector<16xi32>
      %reduce_sum3A_234 = arith.constant true
      %reduce_sum3A_235 = vector.broadcast %reduce_sum3A_234 : i1 to vector<16xi1>
      %reduce_sum3A_236 = tpu.scan <sum>, %select_n3A_233 masked %reduce_sum3A_235 : vector<16xi32>, vector<16xi1> -> vector<16xi32>
      %reduce_sum3A_237 = vector.extract %reduce_sum3A_236[15] : i32 from vector<16xi32>
      %multiple_of3A_238 = tpu.assume_multiple %reduce_sum3A_227, 128 : i32
      %dma_start3A_239 = arith.constant 6 : i32
      %dma_start3A_240 = arith.constant 0 : i32
      %dma_start3A_241 = arith.constant 0 : i32
      %dma_start3A_242 = tpu.memref_slice %arg6[%dma_start3A_239, %dma_start3A_240, %dma_start3A_241] : memref<8x64x128xf32, #tpu.memory_space<vmem>> -> memref<1x64x128xf32, #tpu.memory_space<vmem>>
      %dma_start3A_243 = tpu.memref_squeeze %dma_start3A_242 : memref<1x64x128xf32, #tpu.memory_space<vmem>> -> memref<64x128xf32, #tpu.memory_space<vmem>>
      %dma_start3A_244 = arith.constant 0 : i32
      %dma_start3A_245 = tpu.memref_slice %arg2[%dma_start3A_244, %multiple_of3A_238] : memref<64x1000000xf32, #tpu.memory_space<hbm>> -> memref<64x128xf32, #tpu.memory_space<hbm>>
      %dma_start3A_246 = arith.constant 0 : i32
      %dma_start3A_247 = arith.constant 0 : i32
      %dma_start3A_248 = tpu.memref_slice %arg6[%dma_start3A_239, %dma_start3A_246, %dma_start3A_247] : memref<8x64x128xf32, #tpu.memory_space<vmem>> -> memref<1x64x128xf32, #tpu.memory_space<vmem>>
      %dma_start3A_249 = tpu.memref_squeeze %dma_start3A_248 : memref<1x64x128xf32, #tpu.memory_space<vmem>> -> memref<64x128xf32, #tpu.memory_space<vmem>>
      %dma_start3A_250 = arith.constant 0 : i32
      %dma_start3A_251 = tpu.memref_slice %arg2[%dma_start3A_250, %multiple_of3A_238] : memref<64x1000000xf32, #tpu.memory_space<hbm>> -> memref<64x128xf32, #tpu.memory_space<hbm>>
      tpu.enqueue_dma source(%dma_start3A_251 : memref<64x128xf32, #tpu.memory_space<hbm>>) target(%dma_start3A_249 : memref<64x128xf32, #tpu.memory_space<vmem>>) target_semaphore(%arg8 : memref<!tpu.dma_semaphore, #tpu.memory_space<semaphore_mem>>)
      %eq3A_252 = arith.constant 7 : i32
      %eq3A_253 = vector.broadcast %eq3A_252 : i32 to vector<16xi32>
      %eq3A_254 = arith.cmpi eq, %iota3A, %eq3A_253 : vector<16xi32>
      %jit3A_255 = arith.constant 0 : i32
      %broadcast_in_dim3A_256 = vector.broadcast %jit3A_255 : i32 to vector<16xi32>
      %select_n3A_257 = arith.select %eq3A_254, %shift_left3A_18, %broadcast_in_dim3A_256 : vector<16xi1>, vector<16xi32>
      %reduce_sum3A_258 = arith.constant true
      %reduce_sum3A_259 = vector.broadcast %reduce_sum3A_258 : i1 to vector<16xi1>
      %reduce_sum3A_260 = tpu.scan <sum>, %select_n3A_257 masked %reduce_sum3A_259 : vector<16xi32>, vector<16xi1> -> vector<16xi32>
      %reduce_sum3A_261 = vector.extract %reduce_sum3A_260[15] : i32 from vector<16xi32>
      %eq3A_262 = arith.constant 7 : i32
      %eq3A_263 = vector.broadcast %eq3A_262 : i32 to vector<16xi32>
      %eq3A_264 = arith.cmpi eq, %iota3A, %eq3A_263 : vector<16xi32>
      %jit3A_265 = arith.constant 0 : i32
      %broadcast_in_dim3A_266 = vector.broadcast %jit3A_265 : i32 to vector<16xi32>
      %select_n3A_267 = arith.select %eq3A_264, %and3A_20, %broadcast_in_dim3A_266 : vector<16xi1>, vector<16xi32>
      %reduce_sum3A_268 = arith.constant true
      %reduce_sum3A_269 = vector.broadcast %reduce_sum3A_268 : i1 to vector<16xi1>
      %reduce_sum3A_270 = tpu.scan <sum>, %select_n3A_267 masked %reduce_sum3A_269 : vector<16xi32>, vector<16xi1> -> vector<16xi32>
      %reduce_sum3A_271 = vector.extract %reduce_sum3A_270[15] : i32 from vector<16xi32>
      %multiple_of3A_272 = tpu.assume_multiple %reduce_sum3A_261, 128 : i32
      %dma_start3A_273 = arith.constant 7 : i32
      %dma_start3A_274 = arith.constant 0 : i32
      %dma_start3A_275 = arith.constant 0 : i32
      %dma_start3A_276 = tpu.memref_slice %arg6[%dma_start3A_273, %dma_start3A_274, %dma_start3A_275] : memref<8x64x128xf32, #tpu.memory_space<vmem>> -> memref<1x64x128xf32, #tpu.memory_space<vmem>>
      %dma_start3A_277 = tpu.memref_squeeze %dma_start3A_276 : memref<1x64x128xf32, #tpu.memory_space<vmem>> -> memref<64x128xf32, #tpu.memory_space<vmem>>
      %dma_start3A_278 = arith.constant 0 : i32
      %dma_start3A_279 = tpu.memref_slice %arg2[%dma_start3A_278, %multiple_of3A_272] : memref<64x1000000xf32, #tpu.memory_space<hbm>> -> memref<64x128xf32, #tpu.memory_space<hbm>>
      %dma_start3A_280 = arith.constant 0 : i32
      %dma_start3A_281 = arith.constant 0 : i32
      %dma_start3A_282 = tpu.memref_slice %arg6[%dma_start3A_273, %dma_start3A_280, %dma_start3A_281] : memref<8x64x128xf32, #tpu.memory_space<vmem>> -> memref<1x64x128xf32, #tpu.memory_space<vmem>>
      %dma_start3A_283 = tpu.memref_squeeze %dma_start3A_282 : memref<1x64x128xf32, #tpu.memory_space<vmem>> -> memref<64x128xf32, #tpu.memory_space<vmem>>
      %dma_start3A_284 = arith.constant 0 : i32
      %dma_start3A_285 = tpu.memref_slice %arg2[%dma_start3A_284, %multiple_of3A_272] : memref<64x1000000xf32, #tpu.memory_space<hbm>> -> memref<64x128xf32, #tpu.memory_space<hbm>>
      tpu.enqueue_dma source(%dma_start3A_285 : memref<64x128xf32, #tpu.memory_space<hbm>>) target(%dma_start3A_283 : memref<64x128xf32, #tpu.memory_space<vmem>>) target_semaphore(%arg8 : memref<!tpu.dma_semaphore, #tpu.memory_space<semaphore_mem>>)
      %dma_wait3A = arith.constant 0 : i32
      %dma_wait3A_286 = arith.constant 0 : i32
      %dma_wait3A_287 = arith.constant 0 : i32
      %dma_wait3A_288 = tpu.memref_slice %arg6[%dma_wait3A, %dma_wait3A_286, %dma_wait3A_287] : memref<8x64x128xf32, #tpu.memory_space<vmem>> -> memref<1x64x128xf32, #tpu.memory_space<vmem>>
      %dma_wait3A_289 = tpu.memref_squeeze %dma_wait3A_288 : memref<1x64x128xf32, #tpu.memory_space<vmem>> -> memref<64x128xf32, #tpu.memory_space<vmem>>
      %dma_wait3A_290 = arith.constant 0 : i32
      %dma_wait3A_291 = tpu.memref_slice %arg2[%dma_wait3A_290, %multiple_of3A] : memref<64x1000000xf32, #tpu.memory_space<hbm>> -> memref<64x128xf32, #tpu.memory_space<hbm>>
      %dma_wait3A_292 = arith.constant 0 : i32
      %dma_wait3A_293 = arith.constant 0 : i32
      %dma_wait3A_294 = tpu.memref_slice %arg6[%dma_wait3A, %dma_wait3A_292, %dma_wait3A_293] : memref<8x64x128xf32, #tpu.memory_space<vmem>> -> memref<1x64x128xf32, #tpu.memory_space<vmem>>
      %dma_wait3A_295 = tpu.memref_squeeze %dma_wait3A_294 : memref<1x64x128xf32, #tpu.memory_space<vmem>> -> memref<64x128xf32, #tpu.memory_space<vmem>>
      %dma_wait3A_296 = arith.constant 0 : i32
      %dma_wait3A_297 = tpu.memref_slice %arg2[%dma_wait3A_296, %multiple_of3A] : memref<64x1000000xf32, #tpu.memory_space<hbm>> -> memref<64x128xf32, #tpu.memory_space<hbm>>
      tpu.wait_dma2 semaphore(%arg8 : memref<!tpu.dma_semaphore, #tpu.memory_space<semaphore_mem>>) src(%dma_wait3A_297 : memref<64x128xf32, #tpu.memory_space<hbm>>) dst(%dma_wait3A_295 : memref<64x128xf32, #tpu.memory_space<vmem>>)
      %dma_wait3A_298 = arith.constant 1 : i32
      %dma_wait3A_299 = arith.constant 0 : i32
      %dma_wait3A_300 = arith.constant 0 : i32
      %dma_wait3A_301 = tpu.memref_slice %arg6[%dma_wait3A_298, %dma_wait3A_299, %dma_wait3A_300] : memref<8x64x128xf32, #tpu.memory_space<vmem>> -> memref<1x64x128xf32, #tpu.memory_space<vmem>>
      %dma_wait3A_302 = tpu.memref_squeeze %dma_wait3A_301 : memref<1x64x128xf32, #tpu.memory_space<vmem>> -> memref<64x128xf32, #tpu.memory_space<vmem>>
      %dma_wait3A_303 = arith.constant 0 : i32
      %dma_wait3A_304 = tpu.memref_slice %arg2[%dma_wait3A_303, %multiple_of3A_68] : memref<64x1000000xf32, #tpu.memory_space<hbm>> -> memref<64x128xf32, #tpu.memory_space<hbm>>
      %dma_wait3A_305 = arith.constant 0 : i32
      %dma_wait3A_306 = arith.constant 0 : i32
      %dma_wait3A_307 = tpu.memref_slice %arg6[%dma_wait3A_298, %dma_wait3A_305, %dma_wait3A_306] : memref<8x64x128xf32, #tpu.memory_space<vmem>> -> memref<1x64x128xf32, #tpu.memory_space<vmem>>
      %dma_wait3A_308 = tpu.memref_squeeze %dma_wait3A_307 : memref<1x64x128xf32, #tpu.memory_space<vmem>> -> memref<64x128xf32, #tpu.memory_space<vmem>>
      %dma_wait3A_309 = arith.constant 0 : i32
      %dma_wait3A_310 = tpu.memref_slice %arg2[%dma_wait3A_309, %multiple_of3A_68] : memref<64x1000000xf32, #tpu.memory_space<hbm>> -> memref<64x128xf32, #tpu.memory_space<hbm>>
      tpu.wait_dma2 semaphore(%arg8 : memref<!tpu.dma_semaphore, #tpu.memory_space<semaphore_mem>>) src(%dma_wait3A_310 : memref<64x128xf32, #tpu.memory_space<hbm>>) dst(%dma_wait3A_308 : memref<64x128xf32, #tpu.memory_space<vmem>>)
      %dma_wait3A_311 = arith.constant 2 : i32
      %dma_wait3A_312 = arith.constant 0 : i32
      %dma_wait3A_313 = arith.constant 0 : i32
      %dma_wait3A_314 = tpu.memref_slice %arg6[%dma_wait3A_311, %dma_wait3A_312, %dma_wait3A_313] : memref<8x64x128xf32, #tpu.memory_space<vmem>> -> memref<1x64x128xf32, #tpu.memory_space<vmem>>
      %dma_wait3A_315 = tpu.memref_squeeze %dma_wait3A_314 : memref<1x64x128xf32, #tpu.memory_space<vmem>> -> memref<64x128xf32, #tpu.memory_space<vmem>>
      %dma_wait3A_316 = arith.constant 0 : i32
      %dma_wait3A_317 = tpu.memref_slice %arg2[%dma_wait3A_316, %multiple_of3A_102] : memref<64x1000000xf32, #tpu.memory_space<hbm>> -> memref<64x128xf32, #tpu.memory_space<hbm>>
      %dma_wait3A_318 = arith.constant 0 : i32
      %dma_wait3A_319 = arith.constant 0 : i32
      %dma_wait3A_320 = tpu.memref_slice %arg6[%dma_wait3A_311, %dma_wait3A_318, %dma_wait3A_319] : memref<8x64x128xf32, #tpu.memory_space<vmem>> -> memref<1x64x128xf32, #tpu.memory_space<vmem>>
      %dma_wait3A_321 = tpu.memref_squeeze %dma_wait3A_320 : memref<1x64x128xf32, #tpu.memory_space<vmem>> -> memref<64x128xf32, #tpu.memory_space<vmem>>
      %dma_wait3A_322 = arith.constant 0 : i32
      %dma_wait3A_323 = tpu.memref_slice %arg2[%dma_wait3A_322, %multiple_of3A_102] : memref<64x1000000xf32, #tpu.memory_space<hbm>> -> memref<64x128xf32, #tpu.memory_space<hbm>>
      tpu.wait_dma2 semaphore(%arg8 : memref<!tpu.dma_semaphore, #tpu.memory_space<semaphore_mem>>) src(%dma_wait3A_323 : memref<64x128xf32, #tpu.memory_space<hbm>>) dst(%dma_wait3A_321 : memref<64x128xf32, #tpu.memory_space<vmem>>)
      %dma_wait3A_324 = arith.constant 3 : i32
      %dma_wait3A_325 = arith.constant 0 : i32
      %dma_wait3A_326 = arith.constant 0 : i32
      %dma_wait3A_327 = tpu.memref_slice %arg6[%dma_wait3A_324, %dma_wait3A_325, %dma_wait3A_326] : memref<8x64x128xf32, #tpu.memory_space<vmem>> -> memref<1x64x128xf32, #tpu.memory_space<vmem>>
      %dma_wait3A_328 = tpu.memref_squeeze %dma_wait3A_327 : memref<1x64x128xf32, #tpu.memory_space<vmem>> -> memref<64x128xf32, #tpu.memory_space<vmem>>
      %dma_wait3A_329 = arith.constant 0 : i32
      %dma_wait3A_330 = tpu.memref_slice %arg2[%dma_wait3A_329, %multiple_of3A_136] : memref<64x1000000xf32, #tpu.memory_space<hbm>> -> memref<64x128xf32, #tpu.memory_space<hbm>>
      %dma_wait3A_331 = arith.constant 0 : i32
      %dma_wait3A_332 = arith.constant 0 : i32
      %dma_wait3A_333 = tpu.memref_slice %arg6[%dma_wait3A_324, %dma_wait3A_331, %dma_wait3A_332] : memref<8x64x128xf32, #tpu.memory_space<vmem>> -> memref<1x64x128xf32, #tpu.memory_space<vmem>>
      %dma_wait3A_334 = tpu.memref_squeeze %dma_wait3A_333 : memref<1x64x128xf32, #tpu.memory_space<vmem>> -> memref<64x128xf32, #tpu.memory_space<vmem>>
      %dma_wait3A_335 = arith.constant 0 : i32
      %dma_wait3A_336 = tpu.memref_slice %arg2[%dma_wait3A_335, %multiple_of3A_136] : memref<64x1000000xf32, #tpu.memory_space<hbm>> -> memref<64x128xf32, #tpu.memory_space<hbm>>
      tpu.wait_dma2 semaphore(%arg8 : memref<!tpu.dma_semaphore, #tpu.memory_space<semaphore_mem>>) src(%dma_wait3A_336 : memref<64x128xf32, #tpu.memory_space<hbm>>) dst(%dma_wait3A_334 : memref<64x128xf32, #tpu.memory_space<vmem>>)
      %dma_wait3A_337 = arith.constant 4 : i32
      %dma_wait3A_338 = arith.constant 0 : i32
      %dma_wait3A_339 = arith.constant 0 : i32
      %dma_wait3A_340 = tpu.memref_slice %arg6[%dma_wait3A_337, %dma_wait3A_338, %dma_wait3A_339] : memref<8x64x128xf32, #tpu.memory_space<vmem>> -> memref<1x64x128xf32, #tpu.memory_space<vmem>>
      %dma_wait3A_341 = tpu.memref_squeeze %dma_wait3A_340 : memref<1x64x128xf32, #tpu.memory_space<vmem>> -> memref<64x128xf32, #tpu.memory_space<vmem>>
      %dma_wait3A_342 = arith.constant 0 : i32
      %dma_wait3A_343 = tpu.memref_slice %arg2[%dma_wait3A_342, %multiple_of3A_170] : memref<64x1000000xf32, #tpu.memory_space<hbm>> -> memref<64x128xf32, #tpu.memory_space<hbm>>
      %dma_wait3A_344 = arith.constant 0 : i32
      %dma_wait3A_345 = arith.constant 0 : i32
      %dma_wait3A_346 = tpu.memref_slice %arg6[%dma_wait3A_337, %dma_wait3A_344, %dma_wait3A_345] : memref<8x64x128xf32, #tpu.memory_space<vmem>> -> memref<1x64x128xf32, #tpu.memory_space<vmem>>
      %dma_wait3A_347 = tpu.memref_squeeze %dma_wait3A_346 : memref<1x64x128xf32, #tpu.memory_space<vmem>> -> memref<64x128xf32, #tpu.memory_space<vmem>>
      %dma_wait3A_348 = arith.constant 0 : i32
      %dma_wait3A_349 = tpu.memref_slice %arg2[%dma_wait3A_348, %multiple_of3A_170] : memref<64x1000000xf32, #tpu.memory_space<hbm>> -> memref<64x128xf32, #tpu.memory_space<hbm>>
      tpu.wait_dma2 semaphore(%arg8 : memref<!tpu.dma_semaphore, #tpu.memory_space<semaphore_mem>>) src(%dma_wait3A_349 : memref<64x128xf32, #tpu.memory_space<hbm>>) dst(%dma_wait3A_347 : memref<64x128xf32, #tpu.memory_space<vmem>>)
      %dma_wait3A_350 = arith.constant 5 : i32
      %dma_wait3A_351 = arith.constant 0 : i32
      %dma_wait3A_352 = arith.constant 0 : i32
      %dma_wait3A_353 = tpu.memref_slice %arg6[%dma_wait3A_350, %dma_wait3A_351, %dma_wait3A_352] : memref<8x64x128xf32, #tpu.memory_space<vmem>> -> memref<1x64x128xf32, #tpu.memory_space<vmem>>
      %dma_wait3A_354 = tpu.memref_squeeze %dma_wait3A_353 : memref<1x64x128xf32, #tpu.memory_space<vmem>> -> memref<64x128xf32, #tpu.memory_space<vmem>>
      %dma_wait3A_355 = arith.constant 0 : i32
      %dma_wait3A_356 = tpu.memref_slice %arg2[%dma_wait3A_355, %multiple_of3A_204] : memref<64x1000000xf32, #tpu.memory_space<hbm>> -> memref<64x128xf32, #tpu.memory_space<hbm>>
      %dma_wait3A_357 = arith.constant 0 : i32
      %dma_wait3A_358 = arith.constant 0 : i32
      %dma_wait3A_359 = tpu.memref_slice %arg6[%dma_wait3A_350, %dma_wait3A_357, %dma_wait3A_358] : memref<8x64x128xf32, #tpu.memory_space<vmem>> -> memref<1x64x128xf32, #tpu.memory_space<vmem>>
      %dma_wait3A_360 = tpu.memref_squeeze %dma_wait3A_359 : memref<1x64x128xf32, #tpu.memory_space<vmem>> -> memref<64x128xf32, #tpu.memory_space<vmem>>
      %dma_wait3A_361 = arith.constant 0 : i32
      %dma_wait3A_362 = tpu.memref_slice %arg2[%dma_wait3A_361, %multiple_of3A_204] : memref<64x1000000xf32, #tpu.memory_space<hbm>> -> memref<64x128xf32, #tpu.memory_space<hbm>>
      tpu.wait_dma2 semaphore(%arg8 : memref<!tpu.dma_semaphore, #tpu.memory_space<semaphore_mem>>) src(%dma_wait3A_362 : memref<64x128xf32, #tpu.memory_space<hbm>>) dst(%dma_wait3A_360 : memref<64x128xf32, #tpu.memory_space<vmem>>)
      %dma_wait3A_363 = arith.constant 6 : i32
      %dma_wait3A_364 = arith.constant 0 : i32
      %dma_wait3A_365 = arith.constant 0 : i32
      %dma_wait3A_366 = tpu.memref_slice %arg6[%dma_wait3A_363, %dma_wait3A_364, %dma_wait3A_365] : memref<8x64x128xf32, #tpu.memory_space<vmem>> -> memref<1x64x128xf32, #tpu.memory_space<vmem>>
      %dma_wait3A_367 = tpu.memref_squeeze %dma_wait3A_366 : memref<1x64x128xf32, #tpu.memory_space<vmem>> -> memref<64x128xf32, #tpu.memory_space<vmem>>
      %dma_wait3A_368 = arith.constant 0 : i32
      %dma_wait3A_369 = tpu.memref_slice %arg2[%dma_wait3A_368, %multiple_of3A_238] : memref<64x1000000xf32, #tpu.memory_space<hbm>> -> memref<64x128xf32, #tpu.memory_space<hbm>>
      %dma_wait3A_370 = arith.constant 0 : i32
      %dma_wait3A_371 = arith.constant 0 : i32
      %dma_wait3A_372 = tpu.memref_slice %arg6[%dma_wait3A_363, %dma_wait3A_370, %dma_wait3A_371] : memref<8x64x128xf32, #tpu.memory_space<vmem>> -> memref<1x64x128xf32, #tpu.memory_space<vmem>>
      %dma_wait3A_373 = tpu.memref_squeeze %dma_wait3A_372 : memref<1x64x128xf32, #tpu.memory_space<vmem>> -> memref<64x128xf32, #tpu.memory_space<vmem>>
      %dma_wait3A_374 = arith.constant 0 : i32
      %dma_wait3A_375 = tpu.memref_slice %arg2[%dma_wait3A_374, %multiple_of3A_238] : memref<64x1000000xf32, #tpu.memory_space<hbm>> -> memref<64x128xf32, #tpu.memory_space<hbm>>
      tpu.wait_dma2 semaphore(%arg8 : memref<!tpu.dma_semaphore, #tpu.memory_space<semaphore_mem>>) src(%dma_wait3A_375 : memref<64x128xf32, #tpu.memory_space<hbm>>) dst(%dma_wait3A_373 : memref<64x128xf32, #tpu.memory_space<vmem>>)
      %dma_wait3A_376 = arith.constant 7 : i32
      %dma_wait3A_377 = arith.constant 0 : i32
      %dma_wait3A_378 = arith.constant 0 : i32
      %dma_wait3A_379 = tpu.memref_slice %arg6[%dma_wait3A_376, %dma_wait3A_377, %dma_wait3A_378] : memref<8x64x128xf32, #tpu.memory_space<vmem>> -> memref<1x64x128xf32, #tpu.memory_space<vmem>>
      %dma_wait3A_380 = tpu.memref_squeeze %dma_wait3A_379 : memref<1x64x128xf32, #tpu.memory_space<vmem>> -> memref<64x128xf32, #tpu.memory_space<vmem>>
      %dma_wait3A_381 = arith.constant 0 : i32
      %dma_wait3A_382 = tpu.memref_slice %arg2[%dma_wait3A_381, %multiple_of3A_272] : memref<64x1000000xf32, #tpu.memory_space<hbm>> -> memref<64x128xf32, #tpu.memory_space<hbm>>
      %dma_wait3A_383 = arith.constant 0 : i32
      %dma_wait3A_384 = arith.constant 0 : i32
      %dma_wait3A_385 = tpu.memref_slice %arg6[%dma_wait3A_376, %dma_wait3A_383, %dma_wait3A_384] : memref<8x64x128xf32, #tpu.memory_space<vmem>> -> memref<1x64x128xf32, #tpu.memory_space<vmem>>
      %dma_wait3A_386 = tpu.memref_squeeze %dma_wait3A_385 : memref<1x64x128xf32, #tpu.memory_space<vmem>> -> memref<64x128xf32, #tpu.memory_space<vmem>>
      %dma_wait3A_387 = arith.constant 0 : i32
      %dma_wait3A_388 = tpu.memref_slice %arg2[%dma_wait3A_387, %multiple_of3A_272] : memref<64x1000000xf32, #tpu.memory_space<hbm>> -> memref<64x128xf32, #tpu.memory_space<hbm>>
      tpu.wait_dma2 semaphore(%arg8 : memref<!tpu.dma_semaphore, #tpu.memory_space<semaphore_mem>>) src(%dma_wait3A_388 : memref<64x128xf32, #tpu.memory_space<hbm>>) dst(%dma_wait3A_386 : memref<64x128xf32, #tpu.memory_space<vmem>>)
      %add3A_389 = arith.constant 0 : i32
      %add3A_390 = vector.broadcast %add3A_389 : i32 to vector<16xi32>
      %add3A_391 = arith.addi %iota3A, %add3A_390 : vector<16xi32>
      %broadcast_in_dim3A_392 = vector.broadcast %reduce_sum3A_35 : i32 to vector<16xi32>
      %gather3A = arith.constant 0 : i32
      %gather3A_393 = arith.constant 0 : i32
      %gather3A_394 = arith.constant 0 : i32
      %gather3A_395 = tpu.memref_slice %arg6[%gather3A, %gather3A_393, %gather3A_394] : memref<8x64x128xf32, #tpu.memory_space<vmem>> -> memref<1x64x128xf32, #tpu.memory_space<vmem>>
      %gather3A_396 = tpu.memref_squeeze %gather3A_395 : memref<1x64x128xf32, #tpu.memory_space<vmem>> -> memref<64x128xf32, #tpu.memory_space<vmem>>
      %gather3A_397 = tpu.vector_load_idx %gather3A_396[%add3A_391, %broadcast_in_dim3A_392] : memref<64x128xf32, #tpu.memory_space<vmem>>[vector<16xi32>, vector<16xi32>], vector<16xf32>,
      %add3A_398 = arith.constant 0 : i32
      %add3A_399 = arith.addi %mul3A_13, %add3A_398 : i32
      %broadcast_in_dim3A_400 = vector.broadcast %add3A_399 : i32 to vector<16xi32>
      tpu.vector_store_idx %arg7[%add3A_391, %broadcast_in_dim3A_400], %gather3A_397 : memref<64x128xf32, #tpu.memory_space<vmem>>[vector<16xi32>, vector<16xi32>], vector<16xf32>,
      %add3A_401 = arith.constant 16 : i32
      %add3A_402 = vector.broadcast %add3A_401 : i32 to vector<16xi32>
      %add3A_403 = arith.addi %iota3A, %add3A_402 : vector<16xi32>
      %broadcast_in_dim3A_404 = vector.broadcast %reduce_sum3A_35 : i32 to vector<16xi32>
      %gather3A_405 = arith.constant 0 : i32
      %gather3A_406 = arith.constant 0 : i32
      %gather3A_407 = arith.constant 0 : i32
      %gather3A_408 = tpu.memref_slice %arg6[%gather3A_405, %gather3A_406, %gather3A_407] : memref<8x64x128xf32, #tpu.memory_space<vmem>> -> memref<1x64x128xf32, #tpu.memory_space<vmem>>
      %gather3A_409 = tpu.memref_squeeze %gather3A_408 : memref<1x64x128xf32, #tpu.memory_space<vmem>> -> memref<64x128xf32, #tpu.memory_space<vmem>>
      %gather3A_410 = tpu.vector_load_idx %gather3A_409[%add3A_403, %broadcast_in_dim3A_404] : memref<64x128xf32, #tpu.memory_space<vmem>>[vector<16xi32>, vector<16xi32>], vector<16xf32>,
      %add3A_411 = arith.constant 0 : i32
      %add3A_412 = arith.addi %mul3A_13, %add3A_411 : i32
      %broadcast_in_dim3A_413 = vector.broadcast %add3A_412 : i32 to vector<16xi32>
      tpu.vector_store_idx %arg7[%add3A_403, %broadcast_in_dim3A_413], %gather3A_410 : memref<64x128xf32, #tpu.memory_space<vmem>>[vector<16xi32>, vector<16xi32>], vector<16xf32>,
      %add3A_414 = arith.constant 32 : i32
      %add3A_415 = vector.broadcast %add3A_414 : i32 to vector<16xi32>
      %add3A_416 = arith.addi %iota3A, %add3A_415 : vector<16xi32>
      %broadcast_in_dim3A_417 = vector.broadcast %reduce_sum3A_35 : i32 to vector<16xi32>
      %gather3A_418 = arith.constant 0 : i32
      %gather3A_419 = arith.constant 0 : i32
      %gather3A_420 = arith.constant 0 : i32
      %gather3A_421 = tpu.memref_slice %arg6[%gather3A_418, %gather3A_419, %gather3A_420] : memref<8x64x128xf32, #tpu.memory_space<vmem>> -> memref<1x64x128xf32, #tpu.memory_space<vmem>>
      %gather3A_422 = tpu.memref_squeeze %gather3A_421 : memref<1x64x128xf32, #tpu.memory_space<vmem>> -> memref<64x128xf32, #tpu.memory_space<vmem>>
      %gather3A_423 = tpu.vector_load_idx %gather3A_422[%add3A_416, %broadcast_in_dim3A_417] : memref<64x128xf32, #tpu.memory_space<vmem>>[vector<16xi32>, vector<16xi32>], vector<16xf32>,
      %add3A_424 = arith.constant 0 : i32
      %add3A_425 = arith.addi %mul3A_13, %add3A_424 : i32
      %broadcast_in_dim3A_426 = vector.broadcast %add3A_425 : i32 to vector<16xi32>
      tpu.vector_store_idx %arg7[%add3A_416, %broadcast_in_dim3A_426], %gather3A_423 : memref<64x128xf32, #tpu.memory_space<vmem>>[vector<16xi32>, vector<16xi32>], vector<16xf32>,
      %add3A_427 = arith.constant 48 : i32
      %add3A_428 = vector.broadcast %add3A_427 : i32 to vector<16xi32>
      %add3A_429 = arith.addi %iota3A, %add3A_428 : vector<16xi32>
      %broadcast_in_dim3A_430 = vector.broadcast %reduce_sum3A_35 : i32 to vector<16xi32>
      %gather3A_431 = arith.constant 0 : i32
      %gather3A_432 = arith.constant 0 : i32
      %gather3A_433 = arith.constant 0 : i32
      %gather3A_434 = tpu.memref_slice %arg6[%gather3A_431, %gather3A_432, %gather3A_433] : memref<8x64x128xf32, #tpu.memory_space<vmem>> -> memref<1x64x128xf32, #tpu.memory_space<vmem>>
      %gather3A_435 = tpu.memref_squeeze %gather3A_434 : memref<1x64x128xf32, #tpu.memory_space<vmem>> -> memref<64x128xf32, #tpu.memory_space<vmem>>
      %gather3A_436 = tpu.vector_load_idx %gather3A_435[%add3A_429, %broadcast_in_dim3A_430] : memref<64x128xf32, #tpu.memory_space<vmem>>[vector<16xi32>, vector<16xi32>], vector<16xf32>,
      %add3A_437 = arith.constant 0 : i32
      %add3A_438 = arith.addi %mul3A_13, %add3A_437 : i32
      %broadcast_in_dim3A_439 = vector.broadcast %add3A_438 : i32 to vector<16xi32>
      tpu.vector_store_idx %arg7[%add3A_429, %broadcast_in_dim3A_439], %gather3A_436 : memref<64x128xf32, #tpu.memory_space<vmem>>[vector<16xi32>, vector<16xi32>], vector<16xf32>,
      %add3A_440 = arith.constant 0 : i32
      %add3A_441 = vector.broadcast %add3A_440 : i32 to vector<16xi32>
      %add3A_442 = arith.addi %iota3A, %add3A_441 : vector<16xi32>
      %broadcast_in_dim3A_443 = vector.broadcast %reduce_sum3A_67 : i32 to vector<16xi32>
      %gather3A_444 = arith.constant 1 : i32
      %gather3A_445 = arith.constant 0 : i32
      %gather3A_446 = arith.constant 0 : i32
      %gather3A_447 = tpu.memref_slice %arg6[%gather3A_444, %gather3A_445, %gather3A_446] : memref<8x64x128xf32, #tpu.memory_space<vmem>> -> memref<1x64x128xf32, #tpu.memory_space<vmem>>
      %gather3A_448 = tpu.memref_squeeze %gather3A_447 : memref<1x64x128xf32, #tpu.memory_space<vmem>> -> memref<64x128xf32, #tpu.memory_space<vmem>>
      %gather3A_449 = tpu.vector_load_idx %gather3A_448[%add3A_442, %broadcast_in_dim3A_443] : memref<64x128xf32, #tpu.memory_space<vmem>>[vector<16xi32>, vector<16xi32>], vector<16xf32>,
      %add3A_450 = arith.constant 1 : i32
      %add3A_451 = arith.addi %mul3A_13, %add3A_450 : i32
      %broadcast_in_dim3A_452 = vector.broadcast %add3A_451 : i32 to vector<16xi32>
      tpu.vector_store_idx %arg7[%add3A_442, %broadcast_in_dim3A_452], %gather3A_449 : memref<64x128xf32, #tpu.memory_space<vmem>>[vector<16xi32>, vector<16xi32>], vector<16xf32>,
      %add3A_453 = arith.constant 16 : i32
      %add3A_454 = vector.broadcast %add3A_453 : i32 to vector<16xi32>
      %add3A_455 = arith.addi %iota3A, %add3A_454 : vector<16xi32>
      %broadcast_in_dim3A_456 = vector.broadcast %reduce_sum3A_67 : i32 to vector<16xi32>
      %gather3A_457 = arith.constant 1 : i32
      %gather3A_458 = arith.constant 0 : i32
      %gather3A_459 = arith.constant 0 : i32
      %gather3A_460 = tpu.memref_slice %arg6[%gather3A_457, %gather3A_458, %gather3A_459] : memref<8x64x128xf32, #tpu.memory_space<vmem>> -> memref<1x64x128xf32, #tpu.memory_space<vmem>>
      %gather3A_461 = tpu.memref_squeeze %gather3A_460 : memref<1x64x128xf32, #tpu.memory_space<vmem>> -> memref<64x128xf32, #tpu.memory_space<vmem>>
      %gather3A_462 = tpu.vector_load_idx %gather3A_461[%add3A_455, %broadcast_in_dim3A_456] : memref<64x128xf32, #tpu.memory_space<vmem>>[vector<16xi32>, vector<16xi32>], vector<16xf32>,
      %add3A_463 = arith.constant 1 : i32
      %add3A_464 = arith.addi %mul3A_13, %add3A_463 : i32
      %broadcast_in_dim3A_465 = vector.broadcast %add3A_464 : i32 to vector<16xi32>
      tpu.vector_store_idx %arg7[%add3A_455, %broadcast_in_dim3A_465], %gather3A_462 : memref<64x128xf32, #tpu.memory_space<vmem>>[vector<16xi32>, vector<16xi32>], vector<16xf32>,
      %add3A_466 = arith.constant 32 : i32
      %add3A_467 = vector.broadcast %add3A_466 : i32 to vector<16xi32>
      %add3A_468 = arith.addi %iota3A, %add3A_467 : vector<16xi32>
      %broadcast_in_dim3A_469 = vector.broadcast %reduce_sum3A_67 : i32 to vector<16xi32>
      %gather3A_470 = arith.constant 1 : i32
      %gather3A_471 = arith.constant 0 : i32
      %gather3A_472 = arith.constant 0 : i32
      %gather3A_473 = tpu.memref_slice %arg6[%gather3A_470, %gather3A_471, %gather3A_472] : memref<8x64x128xf32, #tpu.memory_space<vmem>> -> memref<1x64x128xf32, #tpu.memory_space<vmem>>
      %gather3A_474 = tpu.memref_squeeze %gather3A_473 : memref<1x64x128xf32, #tpu.memory_space<vmem>> -> memref<64x128xf32, #tpu.memory_space<vmem>>
      %gather3A_475 = tpu.vector_load_idx %gather3A_474[%add3A_468, %broadcast_in_dim3A_469] : memref<64x128xf32, #tpu.memory_space<vmem>>[vector<16xi32>, vector<16xi32>], vector<16xf32>,
      %add3A_476 = arith.constant 1 : i32
      %add3A_477 = arith.addi %mul3A_13, %add3A_476 : i32
      %broadcast_in_dim3A_478 = vector.broadcast %add3A_477 : i32 to vector<16xi32>
      tpu.vector_store_idx %arg7[%add3A_468, %broadcast_in_dim3A_478], %gather3A_475 : memref<64x128xf32, #tpu.memory_space<vmem>>[vector<16xi32>, vector<16xi32>], vector<16xf32>,
      %add3A_479 = arith.constant 48 : i32
      %add3A_480 = vector.broadcast %add3A_479 : i32 to vector<16xi32>
      %add3A_481 = arith.addi %iota3A, %add3A_480 : vector<16xi32>
      %broadcast_in_dim3A_482 = vector.broadcast %reduce_sum3A_67 : i32 to vector<16xi32>
      %gather3A_483 = arith.constant 1 : i32
      %gather3A_484 = arith.constant 0 : i32
      %gather3A_485 = arith.constant 0 : i32
      %gather3A_486 = tpu.memref_slice %arg6[%gather3A_483, %gather3A_484, %gather3A_485] : memref<8x64x128xf32, #tpu.memory_space<vmem>> -> memref<1x64x128xf32, #tpu.memory_space<vmem>>
      %gather3A_487 = tpu.memref_squeeze %gather3A_486 : memref<1x64x128xf32, #tpu.memory_space<vmem>> -> memref<64x128xf32, #tpu.memory_space<vmem>>
      %gather3A_488 = tpu.vector_load_idx %gather3A_487[%add3A_481, %broadcast_in_dim3A_482] : memref<64x128xf32, #tpu.memory_space<vmem>>[vector<16xi32>, vector<16xi32>], vector<16xf32>,
      %add3A_489 = arith.constant 1 : i32
      %add3A_490 = arith.addi %mul3A_13, %add3A_489 : i32
      %broadcast_in_dim3A_491 = vector.broadcast %add3A_490 : i32 to vector<16xi32>
      tpu.vector_store_idx %arg7[%add3A_481, %broadcast_in_dim3A_491], %gather3A_488 : memref<64x128xf32, #tpu.memory_space<vmem>>[vector<16xi32>, vector<16xi32>], vector<16xf32>,
      %add3A_492 = arith.constant 0 : i32
      %add3A_493 = vector.broadcast %add3A_492 : i32 to vector<16xi32>
      %add3A_494 = arith.addi %iota3A, %add3A_493 : vector<16xi32>
      %broadcast_in_dim3A_495 = vector.broadcast %reduce_sum3A_101 : i32 to vector<16xi32>
      %gather3A_496 = arith.constant 2 : i32
      %gather3A_497 = arith.constant 0 : i32
      %gather3A_498 = arith.constant 0 : i32
      %gather3A_499 = tpu.memref_slice %arg6[%gather3A_496, %gather3A_497, %gather3A_498] : memref<8x64x128xf32, #tpu.memory_space<vmem>> -> memref<1x64x128xf32, #tpu.memory_space<vmem>>
      %gather3A_500 = tpu.memref_squeeze %gather3A_499 : memref<1x64x128xf32, #tpu.memory_space<vmem>> -> memref<64x128xf32, #tpu.memory_space<vmem>>
      %gather3A_501 = tpu.vector_load_idx %gather3A_500[%add3A_494, %broadcast_in_dim3A_495] : memref<64x128xf32, #tpu.memory_space<vmem>>[vector<16xi32>, vector<16xi32>], vector<16xf32>,
      %add3A_502 = arith.constant 2 : i32
      %add3A_503 = arith.addi %mul3A_13, %add3A_502 : i32
      %broadcast_in_dim3A_504 = vector.broadcast %add3A_503 : i32 to vector<16xi32>
      tpu.vector_store_idx %arg7[%add3A_494, %broadcast_in_dim3A_504], %gather3A_501 : memref<64x128xf32, #tpu.memory_space<vmem>>[vector<16xi32>, vector<16xi32>], vector<16xf32>,
      %add3A_505 = arith.constant 16 : i32
      %add3A_506 = vector.broadcast %add3A_505 : i32 to vector<16xi32>
      %add3A_507 = arith.addi %iota3A, %add3A_506 : vector<16xi32>
      %broadcast_in_dim3A_508 = vector.broadcast %reduce_sum3A_101 : i32 to vector<16xi32>
      %gather3A_509 = arith.constant 2 : i32
      %gather3A_510 = arith.constant 0 : i32
      %gather3A_511 = arith.constant 0 : i32
      %gather3A_512 = tpu.memref_slice %arg6[%gather3A_509, %gather3A_510, %gather3A_511] : memref<8x64x128xf32, #tpu.memory_space<vmem>> -> memref<1x64x128xf32, #tpu.memory_space<vmem>>
      %gather3A_513 = tpu.memref_squeeze %gather3A_512 : memref<1x64x128xf32, #tpu.memory_space<vmem>> -> memref<64x128xf32, #tpu.memory_space<vmem>>
      %gather3A_514 = tpu.vector_load_idx %gather3A_513[%add3A_507, %broadcast_in_dim3A_508] : memref<64x128xf32, #tpu.memory_space<vmem>>[vector<16xi32>, vector<16xi32>], vector<16xf32>,
      %add3A_515 = arith.constant 2 : i32
      %add3A_516 = arith.addi %mul3A_13, %add3A_515 : i32
      %broadcast_in_dim3A_517 = vector.broadcast %add3A_516 : i32 to vector<16xi32>
      tpu.vector_store_idx %arg7[%add3A_507, %broadcast_in_dim3A_517], %gather3A_514 : memref<64x128xf32, #tpu.memory_space<vmem>>[vector<16xi32>, vector<16xi32>], vector<16xf32>,
      %add3A_518 = arith.constant 32 : i32
      %add3A_519 = vector.broadcast %add3A_518 : i32 to vector<16xi32>
      %add3A_520 = arith.addi %iota3A, %add3A_519 : vector<16xi32>
      %broadcast_in_dim3A_521 = vector.broadcast %reduce_sum3A_101 : i32 to vector<16xi32>
      %gather3A_522 = arith.constant 2 : i32
      %gather3A_523 = arith.constant 0 : i32
      %gather3A_524 = arith.constant 0 : i32
      %gather3A_525 = tpu.memref_slice %arg6[%gather3A_522, %gather3A_523, %gather3A_524] : memref<8x64x128xf32, #tpu.memory_space<vmem>> -> memref<1x64x128xf32, #tpu.memory_space<vmem>>
      %gather3A_526 = tpu.memref_squeeze %gather3A_525 : memref<1x64x128xf32, #tpu.memory_space<vmem>> -> memref<64x128xf32, #tpu.memory_space<vmem>>
      %gather3A_527 = tpu.vector_load_idx %gather3A_526[%add3A_520, %broadcast_in_dim3A_521] : memref<64x128xf32, #tpu.memory_space<vmem>>[vector<16xi32>, vector<16xi32>], vector<16xf32>,
      %add3A_528 = arith.constant 2 : i32
      %add3A_529 = arith.addi %mul3A_13, %add3A_528 : i32
      %broadcast_in_dim3A_530 = vector.broadcast %add3A_529 : i32 to vector<16xi32>
      tpu.vector_store_idx %arg7[%add3A_520, %broadcast_in_dim3A_530], %gather3A_527 : memref<64x128xf32, #tpu.memory_space<vmem>>[vector<16xi32>, vector<16xi32>], vector<16xf32>,
      %add3A_531 = arith.constant 48 : i32
      %add3A_532 = vector.broadcast %add3A_531 : i32 to vector<16xi32>
      %add3A_533 = arith.addi %iota3A, %add3A_532 : vector<16xi32>
      %broadcast_in_dim3A_534 = vector.broadcast %reduce_sum3A_101 : i32 to vector<16xi32>
      %gather3A_535 = arith.constant 2 : i32
      %gather3A_536 = arith.constant 0 : i32
      %gather3A_537 = arith.constant 0 : i32
      %gather3A_538 = tpu.memref_slice %arg6[%gather3A_535, %gather3A_536, %gather3A_537] : memref<8x64x128xf32, #tpu.memory_space<vmem>> -> memref<1x64x128xf32, #tpu.memory_space<vmem>>
      %gather3A_539 = tpu.memref_squeeze %gather3A_538 : memref<1x64x128xf32, #tpu.memory_space<vmem>> -> memref<64x128xf32, #tpu.memory_space<vmem>>
      %gather3A_540 = tpu.vector_load_idx %gather3A_539[%add3A_533, %broadcast_in_dim3A_534] : memref<64x128xf32, #tpu.memory_space<vmem>>[vector<16xi32>, vector<16xi32>], vector<16xf32>,
      %add3A_541 = arith.constant 2 : i32
      %add3A_542 = arith.addi %mul3A_13, %add3A_541 : i32
      %broadcast_in_dim3A_543 = vector.broadcast %add3A_542 : i32 to vector<16xi32>
      tpu.vector_store_idx %arg7[%add3A_533, %broadcast_in_dim3A_543], %gather3A_540 : memref<64x128xf32, #tpu.memory_space<vmem>>[vector<16xi32>, vector<16xi32>], vector<16xf32>,
      %add3A_544 = arith.constant 0 : i32
      %add3A_545 = vector.broadcast %add3A_544 : i32 to vector<16xi32>
      %add3A_546 = arith.addi %iota3A, %add3A_545 : vector<16xi32>
      %broadcast_in_dim3A_547 = vector.broadcast %reduce_sum3A_135 : i32 to vector<16xi32>
      %gather3A_548 = arith.constant 3 : i32
      %gather3A_549 = arith.constant 0 : i32
      %gather3A_550 = arith.constant 0 : i32
      %gather3A_551 = tpu.memref_slice %arg6[%gather3A_548, %gather3A_549, %gather3A_550] : memref<8x64x128xf32, #tpu.memory_space<vmem>> -> memref<1x64x128xf32, #tpu.memory_space<vmem>>
      %gather3A_552 = tpu.memref_squeeze %gather3A_551 : memref<1x64x128xf32, #tpu.memory_space<vmem>> -> memref<64x128xf32, #tpu.memory_space<vmem>>
      %gather3A_553 = tpu.vector_load_idx %gather3A_552[%add3A_546, %broadcast_in_dim3A_547] : memref<64x128xf32, #tpu.memory_space<vmem>>[vector<16xi32>, vector<16xi32>], vector<16xf32>,
      %add3A_554 = arith.constant 3 : i32
      %add3A_555 = arith.addi %mul3A_13, %add3A_554 : i32
      %broadcast_in_dim3A_556 = vector.broadcast %add3A_555 : i32 to vector<16xi32>
      tpu.vector_store_idx %arg7[%add3A_546, %broadcast_in_dim3A_556], %gather3A_553 : memref<64x128xf32, #tpu.memory_space<vmem>>[vector<16xi32>, vector<16xi32>], vector<16xf32>,
      %add3A_557 = arith.constant 16 : i32
      %add3A_558 = vector.broadcast %add3A_557 : i32 to vector<16xi32>
      %add3A_559 = arith.addi %iota3A, %add3A_558 : vector<16xi32>
      %broadcast_in_dim3A_560 = vector.broadcast %reduce_sum3A_135 : i32 to vector<16xi32>
      %gather3A_561 = arith.constant 3 : i32
      %gather3A_562 = arith.constant 0 : i32
      %gather3A_563 = arith.constant 0 : i32
      %gather3A_564 = tpu.memref_slice %arg6[%gather3A_561, %gather3A_562, %gather3A_563] : memref<8x64x128xf32, #tpu.memory_space<vmem>> -> memref<1x64x128xf32, #tpu.memory_space<vmem>>
      %gather3A_565 = tpu.memref_squeeze %gather3A_564 : memref<1x64x128xf32, #tpu.memory_space<vmem>> -> memref<64x128xf32, #tpu.memory_space<vmem>>
      %gather3A_566 = tpu.vector_load_idx %gather3A_565[%add3A_559, %broadcast_in_dim3A_560] : memref<64x128xf32, #tpu.memory_space<vmem>>[vector<16xi32>, vector<16xi32>], vector<16xf32>,
      %add3A_567 = arith.constant 3 : i32
      %add3A_568 = arith.addi %mul3A_13, %add3A_567 : i32
      %broadcast_in_dim3A_569 = vector.broadcast %add3A_568 : i32 to vector<16xi32>
      tpu.vector_store_idx %arg7[%add3A_559, %broadcast_in_dim3A_569], %gather3A_566 : memref<64x128xf32, #tpu.memory_space<vmem>>[vector<16xi32>, vector<16xi32>], vector<16xf32>,
      %add3A_570 = arith.constant 32 : i32
      %add3A_571 = vector.broadcast %add3A_570 : i32 to vector<16xi32>
      %add3A_572 = arith.addi %iota3A, %add3A_571 : vector<16xi32>
      %broadcast_in_dim3A_573 = vector.broadcast %reduce_sum3A_135 : i32 to vector<16xi32>
      %gather3A_574 = arith.constant 3 : i32
      %gather3A_575 = arith.constant 0 : i32
      %gather3A_576 = arith.constant 0 : i32
      %gather3A_577 = tpu.memref_slice %arg6[%gather3A_574, %gather3A_575, %gather3A_576] : memref<8x64x128xf32, #tpu.memory_space<vmem>> -> memref<1x64x128xf32, #tpu.memory_space<vmem>>
      %gather3A_578 = tpu.memref_squeeze %gather3A_577 : memref<1x64x128xf32, #tpu.memory_space<vmem>> -> memref<64x128xf32, #tpu.memory_space<vmem>>
      %gather3A_579 = tpu.vector_load_idx %gather3A_578[%add3A_572, %broadcast_in_dim3A_573] : memref<64x128xf32, #tpu.memory_space<vmem>>[vector<16xi32>, vector<16xi32>], vector<16xf32>,
      %add3A_580 = arith.constant 3 : i32
      %add3A_581 = arith.addi %mul3A_13, %add3A_580 : i32
      %broadcast_in_dim3A_582 = vector.broadcast %add3A_581 : i32 to vector<16xi32>
      tpu.vector_store_idx %arg7[%add3A_572, %broadcast_in_dim3A_582], %gather3A_579 : memref<64x128xf32, #tpu.memory_space<vmem>>[vector<16xi32>, vector<16xi32>], vector<16xf32>,
      %add3A_583 = arith.constant 48 : i32
      %add3A_584 = vector.broadcast %add3A_583 : i32 to vector<16xi32>
      %add3A_585 = arith.addi %iota3A, %add3A_584 : vector<16xi32>
      %broadcast_in_dim3A_586 = vector.broadcast %reduce_sum3A_135 : i32 to vector<16xi32>
      %gather3A_587 = arith.constant 3 : i32
      %gather3A_588 = arith.constant 0 : i32
      %gather3A_589 = arith.constant 0 : i32
      %gather3A_590 = tpu.memref_slice %arg6[%gather3A_587, %gather3A_588, %gather3A_589] : memref<8x64x128xf32, #tpu.memory_space<vmem>> -> memref<1x64x128xf32, #tpu.memory_space<vmem>>
      %gather3A_591 = tpu.memref_squeeze %gather3A_590 : memref<1x64x128xf32, #tpu.memory_space<vmem>> -> memref<64x128xf32, #tpu.memory_space<vmem>>
      %gather3A_592 = tpu.vector_load_idx %gather3A_591[%add3A_585, %broadcast_in_dim3A_586] : memref<64x128xf32, #tpu.memory_space<vmem>>[vector<16xi32>, vector<16xi32>], vector<16xf32>,
      %add3A_593 = arith.constant 3 : i32
      %add3A_594 = arith.addi %mul3A_13, %add3A_593 : i32
      %broadcast_in_dim3A_595 = vector.broadcast %add3A_594 : i32 to vector<16xi32>
      tpu.vector_store_idx %arg7[%add3A_585, %broadcast_in_dim3A_595], %gather3A_592 : memref<64x128xf32, #tpu.memory_space<vmem>>[vector<16xi32>, vector<16xi32>], vector<16xf32>,
      %add3A_596 = arith.constant 0 : i32
      %add3A_597 = vector.broadcast %add3A_596 : i32 to vector<16xi32>
      %add3A_598 = arith.addi %iota3A, %add3A_597 : vector<16xi32>
      %broadcast_in_dim3A_599 = vector.broadcast %reduce_sum3A_169 : i32 to vector<16xi32>
      %gather3A_600 = arith.constant 4 : i32
      %gather3A_601 = arith.constant 0 : i32
      %gather3A_602 = arith.constant 0 : i32
      %gather3A_603 = tpu.memref_slice %arg6[%gather3A_600, %gather3A_601, %gather3A_602] : memref<8x64x128xf32, #tpu.memory_space<vmem>> -> memref<1x64x128xf32, #tpu.memory_space<vmem>>
      %gather3A_604 = tpu.memref_squeeze %gather3A_603 : memref<1x64x128xf32, #tpu.memory_space<vmem>> -> memref<64x128xf32, #tpu.memory_space<vmem>>
      %gather3A_605 = tpu.vector_load_idx %gather3A_604[%add3A_598, %broadcast_in_dim3A_599] : memref<64x128xf32, #tpu.memory_space<vmem>>[vector<16xi32>, vector<16xi32>], vector<16xf32>,
      %add3A_606 = arith.constant 4 : i32
      %add3A_607 = arith.addi %mul3A_13, %add3A_606 : i32
      %broadcast_in_dim3A_608 = vector.broadcast %add3A_607 : i32 to vector<16xi32>
      tpu.vector_store_idx %arg7[%add3A_598, %broadcast_in_dim3A_608], %gather3A_605 : memref<64x128xf32, #tpu.memory_space<vmem>>[vector<16xi32>, vector<16xi32>], vector<16xf32>,
      %add3A_609 = arith.constant 16 : i32
      %add3A_610 = vector.broadcast %add3A_609 : i32 to vector<16xi32>
      %add3A_611 = arith.addi %iota3A, %add3A_610 : vector<16xi32>
      %broadcast_in_dim3A_612 = vector.broadcast %reduce_sum3A_169 : i32 to vector<16xi32>
      %gather3A_613 = arith.constant 4 : i32
      %gather3A_614 = arith.constant 0 : i32
      %gather3A_615 = arith.constant 0 : i32
      %gather3A_616 = tpu.memref_slice %arg6[%gather3A_613, %gather3A_614, %gather3A_615] : memref<8x64x128xf32, #tpu.memory_space<vmem>> -> memref<1x64x128xf32, #tpu.memory_space<vmem>>
      %gather3A_617 = tpu.memref_squeeze %gather3A_616 : memref<1x64x128xf32, #tpu.memory_space<vmem>> -> memref<64x128xf32, #tpu.memory_space<vmem>>
      %gather3A_618 = tpu.vector_load_idx %gather3A_617[%add3A_611, %broadcast_in_dim3A_612] : memref<64x128xf32, #tpu.memory_space<vmem>>[vector<16xi32>, vector<16xi32>], vector<16xf32>,
      %add3A_619 = arith.constant 4 : i32
      %add3A_620 = arith.addi %mul3A_13, %add3A_619 : i32
      %broadcast_in_dim3A_621 = vector.broadcast %add3A_620 : i32 to vector<16xi32>
      tpu.vector_store_idx %arg7[%add3A_611, %broadcast_in_dim3A_621], %gather3A_618 : memref<64x128xf32, #tpu.memory_space<vmem>>[vector<16xi32>, vector<16xi32>], vector<16xf32>,
      %add3A_622 = arith.constant 32 : i32
      %add3A_623 = vector.broadcast %add3A_622 : i32 to vector<16xi32>
      %add3A_624 = arith.addi %iota3A, %add3A_623 : vector<16xi32>
      %broadcast_in_dim3A_625 = vector.broadcast %reduce_sum3A_169 : i32 to vector<16xi32>
      %gather3A_626 = arith.constant 4 : i32
      %gather3A_627 = arith.constant 0 : i32
      %gather3A_628 = arith.constant 0 : i32
      %gather3A_629 = tpu.memref_slice %arg6[%gather3A_626, %gather3A_627, %gather3A_628] : memref<8x64x128xf32, #tpu.memory_space<vmem>> -> memref<1x64x128xf32, #tpu.memory_space<vmem>>
      %gather3A_630 = tpu.memref_squeeze %gather3A_629 : memref<1x64x128xf32, #tpu.memory_space<vmem>> -> memref<64x128xf32, #tpu.memory_space<vmem>>
      %gather3A_631 = tpu.vector_load_idx %gather3A_630[%add3A_624, %broadcast_in_dim3A_625] : memref<64x128xf32, #tpu.memory_space<vmem>>[vector<16xi32>, vector<16xi32>], vector<16xf32>,
      %add3A_632 = arith.constant 4 : i32
      %add3A_633 = arith.addi %mul3A_13, %add3A_632 : i32
      %broadcast_in_dim3A_634 = vector.broadcast %add3A_633 : i32 to vector<16xi32>
      tpu.vector_store_idx %arg7[%add3A_624, %broadcast_in_dim3A_634], %gather3A_631 : memref<64x128xf32, #tpu.memory_space<vmem>>[vector<16xi32>, vector<16xi32>], vector<16xf32>,
      %add3A_635 = arith.constant 48 : i32
      %add3A_636 = vector.broadcast %add3A_635 : i32 to vector<16xi32>
      %add3A_637 = arith.addi %iota3A, %add3A_636 : vector<16xi32>
      %broadcast_in_dim3A_638 = vector.broadcast %reduce_sum3A_169 : i32 to vector<16xi32>
      %gather3A_639 = arith.constant 4 : i32
      %gather3A_640 = arith.constant 0 : i32
      %gather3A_641 = arith.constant 0 : i32
      %gather3A_642 = tpu.memref_slice %arg6[%gather3A_639, %gather3A_640, %gather3A_641] : memref<8x64x128xf32, #tpu.memory_space<vmem>> -> memref<1x64x128xf32, #tpu.memory_space<vmem>>
      %gather3A_643 = tpu.memref_squeeze %gather3A_642 : memref<1x64x128xf32, #tpu.memory_space<vmem>> -> memref<64x128xf32, #tpu.memory_space<vmem>>
      %gather3A_644 = tpu.vector_load_idx %gather3A_643[%add3A_637, %broadcast_in_dim3A_638] : memref<64x128xf32, #tpu.memory_space<vmem>>[vector<16xi32>, vector<16xi32>], vector<16xf32>,
      %add3A_645 = arith.constant 4 : i32
      %add3A_646 = arith.addi %mul3A_13, %add3A_645 : i32
      %broadcast_in_dim3A_647 = vector.broadcast %add3A_646 : i32 to vector<16xi32>
      tpu.vector_store_idx %arg7[%add3A_637, %broadcast_in_dim3A_647], %gather3A_644 : memref<64x128xf32, #tpu.memory_space<vmem>>[vector<16xi32>, vector<16xi32>], vector<16xf32>,
      %add3A_648 = arith.constant 0 : i32
      %add3A_649 = vector.broadcast %add3A_648 : i32 to vector<16xi32>
      %add3A_650 = arith.addi %iota3A, %add3A_649 : vector<16xi32>
      %broadcast_in_dim3A_651 = vector.broadcast %reduce_sum3A_203 : i32 to vector<16xi32>
      %gather3A_652 = arith.constant 5 : i32
      %gather3A_653 = arith.constant 0 : i32
      %gather3A_654 = arith.constant 0 : i32
      %gather3A_655 = tpu.memref_slice %arg6[%gather3A_652, %gather3A_653, %gather3A_654] : memref<8x64x128xf32, #tpu.memory_space<vmem>> -> memref<1x64x128xf32, #tpu.memory_space<vmem>>
      %gather3A_656 = tpu.memref_squeeze %gather3A_655 : memref<1x64x128xf32, #tpu.memory_space<vmem>> -> memref<64x128xf32, #tpu.memory_space<vmem>>
      %gather3A_657 = tpu.vector_load_idx %gather3A_656[%add3A_650, %broadcast_in_dim3A_651] : memref<64x128xf32, #tpu.memory_space<vmem>>[vector<16xi32>, vector<16xi32>], vector<16xf32>,
      %add3A_658 = arith.constant 5 : i32
      %add3A_659 = arith.addi %mul3A_13, %add3A_658 : i32
      %broadcast_in_dim3A_660 = vector.broadcast %add3A_659 : i32 to vector<16xi32>
      tpu.vector_store_idx %arg7[%add3A_650, %broadcast_in_dim3A_660], %gather3A_657 : memref<64x128xf32, #tpu.memory_space<vmem>>[vector<16xi32>, vector<16xi32>], vector<16xf32>,
      %add3A_661 = arith.constant 16 : i32
      %add3A_662 = vector.broadcast %add3A_661 : i32 to vector<16xi32>
      %add3A_663 = arith.addi %iota3A, %add3A_662 : vector<16xi32>
      %broadcast_in_dim3A_664 = vector.broadcast %reduce_sum3A_203 : i32 to vector<16xi32>
      %gather3A_665 = arith.constant 5 : i32
      %gather3A_666 = arith.constant 0 : i32
      %gather3A_667 = arith.constant 0 : i32
      %gather3A_668 = tpu.memref_slice %arg6[%gather3A_665, %gather3A_666, %gather3A_667] : memref<8x64x128xf32, #tpu.memory_space<vmem>> -> memref<1x64x128xf32, #tpu.memory_space<vmem>>
      %gather3A_669 = tpu.memref_squeeze %gather3A_668 : memref<1x64x128xf32, #tpu.memory_space<vmem>> -> memref<64x128xf32, #tpu.memory_space<vmem>>
      %gather3A_670 = tpu.vector_load_idx %gather3A_669[%add3A_663, %broadcast_in_dim3A_664] : memref<64x128xf32, #tpu.memory_space<vmem>>[vector<16xi32>, vector<16xi32>], vector<16xf32>,
      %add3A_671 = arith.constant 5 : i32
      %add3A_672 = arith.addi %mul3A_13, %add3A_671 : i32
      %broadcast_in_dim3A_673 = vector.broadcast %add3A_672 : i32 to vector<16xi32>
      tpu.vector_store_idx %arg7[%add3A_663, %broadcast_in_dim3A_673], %gather3A_670 : memref<64x128xf32, #tpu.memory_space<vmem>>[vector<16xi32>, vector<16xi32>], vector<16xf32>,
      %add3A_674 = arith.constant 32 : i32
      %add3A_675 = vector.broadcast %add3A_674 : i32 to vector<16xi32>
      %add3A_676 = arith.addi %iota3A, %add3A_675 : vector<16xi32>
      %broadcast_in_dim3A_677 = vector.broadcast %reduce_sum3A_203 : i32 to vector<16xi32>
      %gather3A_678 = arith.constant 5 : i32
      %gather3A_679 = arith.constant 0 : i32
      %gather3A_680 = arith.constant 0 : i32
      %gather3A_681 = tpu.memref_slice %arg6[%gather3A_678, %gather3A_679, %gather3A_680] : memref<8x64x128xf32, #tpu.memory_space<vmem>> -> memref<1x64x128xf32, #tpu.memory_space<vmem>>
      %gather3A_682 = tpu.memref_squeeze %gather3A_681 : memref<1x64x128xf32, #tpu.memory_space<vmem>> -> memref<64x128xf32, #tpu.memory_space<vmem>>
      %gather3A_683 = tpu.vector_load_idx %gather3A_682[%add3A_676, %broadcast_in_dim3A_677] : memref<64x128xf32, #tpu.memory_space<vmem>>[vector<16xi32>, vector<16xi32>], vector<16xf32>,
      %add3A_684 = arith.constant 5 : i32
      %add3A_685 = arith.addi %mul3A_13, %add3A_684 : i32
      %broadcast_in_dim3A_686 = vector.broadcast %add3A_685 : i32 to vector<16xi32>
      tpu.vector_store_idx %arg7[%add3A_676, %broadcast_in_dim3A_686], %gather3A_683 : memref<64x128xf32, #tpu.memory_space<vmem>>[vector<16xi32>, vector<16xi32>], vector<16xf32>,
      %add3A_687 = arith.constant 48 : i32
      %add3A_688 = vector.broadcast %add3A_687 : i32 to vector<16xi32>
      %add3A_689 = arith.addi %iota3A, %add3A_688 : vector<16xi32>
      %broadcast_in_dim3A_690 = vector.broadcast %reduce_sum3A_203 : i32 to vector<16xi32>
      %gather3A_691 = arith.constant 5 : i32
      %gather3A_692 = arith.constant 0 : i32
      %gather3A_693 = arith.constant 0 : i32
      %gather3A_694 = tpu.memref_slice %arg6[%gather3A_691, %gather3A_692, %gather3A_693] : memref<8x64x128xf32, #tpu.memory_space<vmem>> -> memref<1x64x128xf32, #tpu.memory_space<vmem>>
      %gather3A_695 = tpu.memref_squeeze %gather3A_694 : memref<1x64x128xf32, #tpu.memory_space<vmem>> -> memref<64x128xf32, #tpu.memory_space<vmem>>
      %gather3A_696 = tpu.vector_load_idx %gather3A_695[%add3A_689, %broadcast_in_dim3A_690] : memref<64x128xf32, #tpu.memory_space<vmem>>[vector<16xi32>, vector<16xi32>], vector<16xf32>,
      %add3A_697 = arith.constant 5 : i32
      %add3A_698 = arith.addi %mul3A_13, %add3A_697 : i32
      %broadcast_in_dim3A_699 = vector.broadcast %add3A_698 : i32 to vector<16xi32>
      tpu.vector_store_idx %arg7[%add3A_689, %broadcast_in_dim3A_699], %gather3A_696 : memref<64x128xf32, #tpu.memory_space<vmem>>[vector<16xi32>, vector<16xi32>], vector<16xf32>,
      %add3A_700 = arith.constant 0 : i32
      %add3A_701 = vector.broadcast %add3A_700 : i32 to vector<16xi32>
      %add3A_702 = arith.addi %iota3A, %add3A_701 : vector<16xi32>
      %broadcast_in_dim3A_703 = vector.broadcast %reduce_sum3A_237 : i32 to vector<16xi32>
      %gather3A_704 = arith.constant 6 : i32
      %gather3A_705 = arith.constant 0 : i32
      %gather3A_706 = arith.constant 0 : i32
      %gather3A_707 = tpu.memref_slice %arg6[%gather3A_704, %gather3A_705, %gather3A_706] : memref<8x64x128xf32, #tpu.memory_space<vmem>> -> memref<1x64x128xf32, #tpu.memory_space<vmem>>
      %gather3A_708 = tpu.memref_squeeze %gather3A_707 : memref<1x64x128xf32, #tpu.memory_space<vmem>> -> memref<64x128xf32, #tpu.memory_space<vmem>>
      %gather3A_709 = tpu.vector_load_idx %gather3A_708[%add3A_702, %broadcast_in_dim3A_703] : memref<64x128xf32, #tpu.memory_space<vmem>>[vector<16xi32>, vector<16xi32>], vector<16xf32>,
      %add3A_710 = arith.constant 6 : i32
      %add3A_711 = arith.addi %mul3A_13, %add3A_710 : i32
      %broadcast_in_dim3A_712 = vector.broadcast %add3A_711 : i32 to vector<16xi32>
      tpu.vector_store_idx %arg7[%add3A_702, %broadcast_in_dim3A_712], %gather3A_709 : memref<64x128xf32, #tpu.memory_space<vmem>>[vector<16xi32>, vector<16xi32>], vector<16xf32>,
      %add3A_713 = arith.constant 16 : i32
      %add3A_714 = vector.broadcast %add3A_713 : i32 to vector<16xi32>
      %add3A_715 = arith.addi %iota3A, %add3A_714 : vector<16xi32>
      %broadcast_in_dim3A_716 = vector.broadcast %reduce_sum3A_237 : i32 to vector<16xi32>
      %gather3A_717 = arith.constant 6 : i32
      %gather3A_718 = arith.constant 0 : i32
      %gather3A_719 = arith.constant 0 : i32
      %gather3A_720 = tpu.memref_slice %arg6[%gather3A_717, %gather3A_718, %gather3A_719] : memref<8x64x128xf32, #tpu.memory_space<vmem>> -> memref<1x64x128xf32, #tpu.memory_space<vmem>>
      %gather3A_721 = tpu.memref_squeeze %gather3A_720 : memref<1x64x128xf32, #tpu.memory_space<vmem>> -> memref<64x128xf32, #tpu.memory_space<vmem>>
      %gather3A_722 = tpu.vector_load_idx %gather3A_721[%add3A_715, %broadcast_in_dim3A_716] : memref<64x128xf32, #tpu.memory_space<vmem>>[vector<16xi32>, vector<16xi32>], vector<16xf32>,
      %add3A_723 = arith.constant 6 : i32
      %add3A_724 = arith.addi %mul3A_13, %add3A_723 : i32
      %broadcast_in_dim3A_725 = vector.broadcast %add3A_724 : i32 to vector<16xi32>
      tpu.vector_store_idx %arg7[%add3A_715, %broadcast_in_dim3A_725], %gather3A_722 : memref<64x128xf32, #tpu.memory_space<vmem>>[vector<16xi32>, vector<16xi32>], vector<16xf32>,
      %add3A_726 = arith.constant 32 : i32
      %add3A_727 = vector.broadcast %add3A_726 : i32 to vector<16xi32>
      %add3A_728 = arith.addi %iota3A, %add3A_727 : vector<16xi32>
      %broadcast_in_dim3A_729 = vector.broadcast %reduce_sum3A_237 : i32 to vector<16xi32>
      %gather3A_730 = arith.constant 6 : i32
      %gather3A_731 = arith.constant 0 : i32
      %gather3A_732 = arith.constant 0 : i32
      %gather3A_733 = tpu.memref_slice %arg6[%gather3A_730, %gather3A_731, %gather3A_732] : memref<8x64x128xf32, #tpu.memory_space<vmem>> -> memref<1x64x128xf32, #tpu.memory_space<vmem>>
      %gather3A_734 = tpu.memref_squeeze %gather3A_733 : memref<1x64x128xf32, #tpu.memory_space<vmem>> -> memref<64x128xf32, #tpu.memory_space<vmem>>
      %gather3A_735 = tpu.vector_load_idx %gather3A_734[%add3A_728, %broadcast_in_dim3A_729] : memref<64x128xf32, #tpu.memory_space<vmem>>[vector<16xi32>, vector<16xi32>], vector<16xf32>,
      %add3A_736 = arith.constant 6 : i32
      %add3A_737 = arith.addi %mul3A_13, %add3A_736 : i32
      %broadcast_in_dim3A_738 = vector.broadcast %add3A_737 : i32 to vector<16xi32>
      tpu.vector_store_idx %arg7[%add3A_728, %broadcast_in_dim3A_738], %gather3A_735 : memref<64x128xf32, #tpu.memory_space<vmem>>[vector<16xi32>, vector<16xi32>], vector<16xf32>,
      %add3A_739 = arith.constant 48 : i32
      %add3A_740 = vector.broadcast %add3A_739 : i32 to vector<16xi32>
      %add3A_741 = arith.addi %iota3A, %add3A_740 : vector<16xi32>
      %broadcast_in_dim3A_742 = vector.broadcast %reduce_sum3A_237 : i32 to vector<16xi32>
      %gather3A_743 = arith.constant 6 : i32
      %gather3A_744 = arith.constant 0 : i32
      %gather3A_745 = arith.constant 0 : i32
      %gather3A_746 = tpu.memref_slice %arg6[%gather3A_743, %gather3A_744, %gather3A_745] : memref<8x64x128xf32, #tpu.memory_space<vmem>> -> memref<1x64x128xf32, #tpu.memory_space<vmem>>
      %gather3A_747 = tpu.memref_squeeze %gather3A_746 : memref<1x64x128xf32, #tpu.memory_space<vmem>> -> memref<64x128xf32, #tpu.memory_space<vmem>>
      %gather3A_748 = tpu.vector_load_idx %gather3A_747[%add3A_741, %broadcast_in_dim3A_742] : memref<64x128xf32, #tpu.memory_space<vmem>>[vector<16xi32>, vector<16xi32>], vector<16xf32>,
      %add3A_749 = arith.constant 6 : i32
      %add3A_750 = arith.addi %mul3A_13, %add3A_749 : i32
      %broadcast_in_dim3A_751 = vector.broadcast %add3A_750 : i32 to vector<16xi32>
      tpu.vector_store_idx %arg7[%add3A_741, %broadcast_in_dim3A_751], %gather3A_748 : memref<64x128xf32, #tpu.memory_space<vmem>>[vector<16xi32>, vector<16xi32>], vector<16xf32>,
      %add3A_752 = arith.constant 0 : i32
      %add3A_753 = vector.broadcast %add3A_752 : i32 to vector<16xi32>
      %add3A_754 = arith.addi %iota3A, %add3A_753 : vector<16xi32>
      %broadcast_in_dim3A_755 = vector.broadcast %reduce_sum3A_271 : i32 to vector<16xi32>
      %gather3A_756 = arith.constant 7 : i32
      %gather3A_757 = arith.constant 0 : i32
      %gather3A_758 = arith.constant 0 : i32
      %gather3A_759 = tpu.memref_slice %arg6[%gather3A_756, %gather3A_757, %gather3A_758] : memref<8x64x128xf32, #tpu.memory_space<vmem>> -> memref<1x64x128xf32, #tpu.memory_space<vmem>>
      %gather3A_760 = tpu.memref_squeeze %gather3A_759 : memref<1x64x128xf32, #tpu.memory_space<vmem>> -> memref<64x128xf32, #tpu.memory_space<vmem>>
      %gather3A_761 = tpu.vector_load_idx %gather3A_760[%add3A_754, %broadcast_in_dim3A_755] : memref<64x128xf32, #tpu.memory_space<vmem>>[vector<16xi32>, vector<16xi32>], vector<16xf32>,
      %add3A_762 = arith.constant 7 : i32
      %add3A_763 = arith.addi %mul3A_13, %add3A_762 : i32
      %broadcast_in_dim3A_764 = vector.broadcast %add3A_763 : i32 to vector<16xi32>
      tpu.vector_store_idx %arg7[%add3A_754, %broadcast_in_dim3A_764], %gather3A_761 : memref<64x128xf32, #tpu.memory_space<vmem>>[vector<16xi32>, vector<16xi32>], vector<16xf32>,
      %add3A_765 = arith.constant 16 : i32
      %add3A_766 = vector.broadcast %add3A_765 : i32 to vector<16xi32>
      %add3A_767 = arith.addi %iota3A, %add3A_766 : vector<16xi32>
      %broadcast_in_dim3A_768 = vector.broadcast %reduce_sum3A_271 : i32 to vector<16xi32>
      %gather3A_769 = arith.constant 7 : i32
      %gather3A_770 = arith.constant 0 : i32
      %gather3A_771 = arith.constant 0 : i32
      %gather3A_772 = tpu.memref_slice %arg6[%gather3A_769, %gather3A_770, %gather3A_771] : memref<8x64x128xf32, #tpu.memory_space<vmem>> -> memref<1x64x128xf32, #tpu.memory_space<vmem>>
      %gather3A_773 = tpu.memref_squeeze %gather3A_772 : memref<1x64x128xf32, #tpu.memory_space<vmem>> -> memref<64x128xf32, #tpu.memory_space<vmem>>
      %gather3A_774 = tpu.vector_load_idx %gather3A_773[%add3A_767, %broadcast_in_dim3A_768] : memref<64x128xf32, #tpu.memory_space<vmem>>[vector<16xi32>, vector<16xi32>], vector<16xf32>,
      %add3A_775 = arith.constant 7 : i32
      %add3A_776 = arith.addi %mul3A_13, %add3A_775 : i32
      %broadcast_in_dim3A_777 = vector.broadcast %add3A_776 : i32 to vector<16xi32>
      tpu.vector_store_idx %arg7[%add3A_767, %broadcast_in_dim3A_777], %gather3A_774 : memref<64x128xf32, #tpu.memory_space<vmem>>[vector<16xi32>, vector<16xi32>], vector<16xf32>,
      %add3A_778 = arith.constant 32 : i32
      %add3A_779 = vector.broadcast %add3A_778 : i32 to vector<16xi32>
      %add3A_780 = arith.addi %iota3A, %add3A_779 : vector<16xi32>
      %broadcast_in_dim3A_781 = vector.broadcast %reduce_sum3A_271 : i32 to vector<16xi32>
      %gather3A_782 = arith.constant 7 : i32
      %gather3A_783 = arith.constant 0 : i32
      %gather3A_784 = arith.constant 0 : i32
      %gather3A_785 = tpu.memref_slice %arg6[%gather3A_782, %gather3A_783, %gather3A_784] : memref<8x64x128xf32, #tpu.memory_space<vmem>> -> memref<1x64x128xf32, #tpu.memory_space<vmem>>
      %gather3A_786 = tpu.memref_squeeze %gather3A_785 : memref<1x64x128xf32, #tpu.memory_space<vmem>> -> memref<64x128xf32, #tpu.memory_space<vmem>>
      %gather3A_787 = tpu.vector_load_idx %gather3A_786[%add3A_780, %broadcast_in_dim3A_781] : memref<64x128xf32, #tpu.memory_space<vmem>>[vector<16xi32>, vector<16xi32>], vector<16xf32>,
      %add3A_788 = arith.constant 7 : i32
      %add3A_789 = arith.addi %mul3A_13, %add3A_788 : i32
      %broadcast_in_dim3A_790 = vector.broadcast %add3A_789 : i32 to vector<16xi32>
      tpu.vector_store_idx %arg7[%add3A_780, %broadcast_in_dim3A_790], %gather3A_787 : memref<64x128xf32, #tpu.memory_space<vmem>>[vector<16xi32>, vector<16xi32>], vector<16xf32>,
      %add3A_791 = arith.constant 48 : i32
      %add3A_792 = vector.broadcast %add3A_791 : i32 to vector<16xi32>
      %add3A_793 = arith.addi %iota3A, %add3A_792 : vector<16xi32>
      %broadcast_in_dim3A_794 = vector.broadcast %reduce_sum3A_271 : i32 to vector<16xi32>
      %gather3A_795 = arith.constant 7 : i32
      %gather3A_796 = arith.constant 0 : i32
      %gather3A_797 = arith.constant 0 : i32
      %gather3A_798 = tpu.memref_slice %arg6[%gather3A_795, %gather3A_796, %gather3A_797] : memref<8x64x128xf32, #tpu.memory_space<vmem>> -> memref<1x64x128xf32, #tpu.memory_space<vmem>>
      %gather3A_799 = tpu.memref_squeeze %gather3A_798 : memref<1x64x128xf32, #tpu.memory_space<vmem>> -> memref<64x128xf32, #tpu.memory_space<vmem>>
      %gather3A_800 = tpu.vector_load_idx %gather3A_799[%add3A_793, %broadcast_in_dim3A_794] : memref<64x128xf32, #tpu.memory_space<vmem>>[vector<16xi32>, vector<16xi32>], vector<16xf32>,
      %add3A_801 = arith.constant 7 : i32
      %add3A_802 = arith.addi %mul3A_13, %add3A_801 : i32
      %broadcast_in_dim3A_803 = vector.broadcast %add3A_802 : i32 to vector<16xi32>
      tpu.vector_store_idx %arg7[%add3A_793, %broadcast_in_dim3A_803], %gather3A_800 : memref<64x128xf32, #tpu.memory_space<vmem>>[vector<16xi32>, vector<16xi32>], vector<16xf32>,
    }
    %scan3A_6 = arith.constant 16 : i32
    "tpu.region"() ({
      %run_scoped3A = tpu.sem_alloc : memref<!tpu.dma_semaphore, #tpu.memory_space<semaphore_mem>>
      %dma_start3A = arith.constant 0 : i32
      %dma_start3A_7 = tpu.memref_slice %arg4[%dma_start3A, %mul3A_2] : memref<64x4096xf32, #tpu.memory_space<hbm>> -> memref<64x128xf32, #tpu.memory_space<hbm>>
      %dma_start3A_8 = arith.constant 0 : i32
      %dma_start3A_9 = tpu.memref_slice %arg4[%dma_start3A_8, %mul3A_2] : memref<64x4096xf32, #tpu.memory_space<hbm>> -> memref<64x128xf32, #tpu.memory_space<hbm>>
      tpu.enqueue_dma source(%arg7 : memref<64x128xf32, #tpu.memory_space<vmem>>) target(%dma_start3A_9 : memref<64x128xf32, #tpu.memory_space<hbm>>) target_semaphore(%run_scoped3A : memref<!tpu.dma_semaphore, #tpu.memory_space<semaphore_mem>>)
      %dma_wait3A = arith.constant 0 : i32
      %dma_wait3A_10 = tpu.memref_slice %arg4[%dma_wait3A, %mul3A_2] : memref<64x4096xf32, #tpu.memory_space<hbm>> -> memref<64x128xf32, #tpu.memory_space<hbm>>
      %dma_wait3A_11 = arith.constant 0 : i32
      %dma_wait3A_12 = tpu.memref_slice %arg4[%dma_wait3A_11, %mul3A_2] : memref<64x4096xf32, #tpu.memory_space<hbm>> -> memref<64x128xf32, #tpu.memory_space<hbm>>
      tpu.wait_dma2 semaphore(%run_scoped3A : memref<!tpu.dma_semaphore, #tpu.memory_space<semaphore_mem>>) src(%arg7 : memref<64x128xf32, #tpu.memory_space<vmem>>) dst(%dma_wait3A_12 : memref<64x128xf32, #tpu.memory_space<hbm>>)
      tpu.yield
    }) : () -> ()
    return
  }
}

module attributes {stable_mosaic.version = 14 : i64} {
  func.func @_dense_body(%arg0: i32, %arg1: memref<64x1000xf32, #tpu.memory_space<vmem>>, %arg2: memref<64x1024xf32, #tpu.memory_space<vmem>>, %arg3: memref<1000x1xf32, #tpu.memory_space<vmem>>, %arg4: memref<1000x1024xf32, #tpu.memory_space<vmem>>) attributes {dimension_semantics = [#tpu.dimension_semantics<arbitrary>], iteration_bounds = array<i64: 4>, scalar_prefetch = 0 : i64, scratch_operands = 0 : i64, tpu.core_type = #tpu.core_type<tc>, window_params = [{pipeline_mode = #tpu.pipeline_mode<synchronous>, transform_indices = @transform_0, window_bounds = array<i64: 64, 1000>}, {transform_indices = @transform_1, window_bounds = array<i64: 64, 1024>}, {pipeline_mode = #tpu.pipeline_mode<synchronous>, transform_indices = @transform_2, window_bounds = array<i64: 1000, 1>}, {transform_indices = @transform_3, window_bounds = array<i64: 1000, 1024>}]} {
    %get3A = arith.constant 0 : index
    %get3A_0 = arith.constant 0 : index
    %get3A_1 = vector.load %arg1[%get3A, %get3A_0] : memref<64x1000xf32, #tpu.memory_space<vmem>>, vector<64x1000xf32>
    %get3A_2 = arith.constant 0 : index
    %get3A_3 = arith.constant 0 : index
    %get3A_4 = vector.load %arg2[%get3A_2, %get3A_3] : memref<64x1024xf32, #tpu.memory_space<vmem>>, vector<64x1024xf32>
    %dot_general3A = arith.constant dense<0.000000e+00> : vector<1000x1024xf32>
    %dot_general3A_5 = tpu.matmul %get3A_1, %get3A_4, %dot_general3A {dimension_numbers = #tpu.dot_dimension_numbers<[0], [0], [1], [1], [0, 1, 1, 1], [], []>, transpose_lhs_hint = false} : vector<64x1000xf32>, vector<64x1024xf32>, vector<1000x1024xf32> -> vector<1000x1024xf32>
    %get3A_6 = arith.constant 0 : index
    %get3A_7 = arith.constant 0 : index
    %get3A_8 = vector.load %arg3[%get3A_6, %get3A_7] : memref<1000x1xf32, #tpu.memory_space<vmem>>, vector<1000x1xf32>
    %add3A = vector.broadcast %get3A_8 : vector<1000x1xf32> to vector<1000x1024xf32>
    %add3A_9 = arith.addf %dot_general3A_5, %add3A : vector<1000x1024xf32>
    %reduce_max3A = arith.constant dense<0xFF800000> : vector<1024xf32>
    %reduce_max3A_10 = vector.multi_reduction <maximumf>, %add3A_9, %reduce_max3A [0] : vector<1000x1024xf32> to vector<1024xf32>
    %broadcast_in_dim3A = vector.shape_cast %reduce_max3A_10 : vector<1024xf32> to vector<1x1024xf32>
    %sub3A = vector.broadcast %broadcast_in_dim3A : vector<1x1024xf32> to vector<1000x1024xf32>
    %sub3A_11 = arith.subf %add3A_9, %sub3A : vector<1000x1024xf32>
    %exp3A = math.exp %sub3A_11 : vector<1000x1024xf32>
    %reduce_sum3A = arith.constant dense<0.000000e+00> : vector<1024xf32>
    %reduce_sum3A_12 = vector.multi_reduction <add>, %exp3A, %reduce_sum3A [0] : vector<1000x1024xf32> to vector<1024xf32>
    %broadcast_in_dim3A_13 = vector.shape_cast %reduce_sum3A_12 : vector<1024xf32> to vector<1x1024xf32>
    %div3A = vector.broadcast %broadcast_in_dim3A_13 : vector<1x1024xf32> to vector<1000x1024xf32>
    %div3A_14 = arith.divf %exp3A, %div3A : vector<1000x1024xf32>
    %swap3A = arith.constant 0 : index
    %swap3A_15 = arith.constant 0 : index
    %swap3A_16 = vector.load %arg4[%swap3A, %swap3A_15] : memref<1000x1024xf32, #tpu.memory_space<vmem>>, vector<1000x1024xf32>
    tpu.vector_store %arg4[%swap3A, %swap3A_15], %div3A_14 {strides = array<i32>} : memref<1000x1024xf32, #tpu.memory_space<vmem>>, vector<1000x1024xf32>,
    return
  }
  func.func @transform_0(%arg0: i32) -> (i32, i32) {
    %c0_i32 = arith.constant 0 : i32
    %c0_i32_0 = arith.constant 0 : i32
    %c0_i32_1 = arith.constant 0 : i32
    return %c0_i32, %c0_i32_0 : i32, i32
  }
  func.func @transform_1(%arg0: i32) -> (i32, i32) {
    %c0_i32 = arith.constant 0 : i32
    %c0_i32_0 = arith.constant 0 : i32
    return %c0_i32, %arg0 : i32, i32
  }
  func.func @transform_2(%arg0: i32) -> (i32, i32) {
    %c0_i32 = arith.constant 0 : i32
    %c0_i32_0 = arith.constant 0 : i32
    %c0_i32_1 = arith.constant 0 : i32
    return %c0_i32, %c0_i32_0 : i32, i32
  }
  func.func @transform_3(%arg0: i32) -> (i32, i32) {
    %c0_i32 = arith.constant 0 : i32
    %c0_i32_0 = arith.constant 0 : i32
    return %c0_i32, %arg0 : i32, i32
  }
}

</mosaic_0001>

<sc_bundles>
// kernel: kernel.4.cloned.1.call-start
scs
__scs_entry_jumppad:
0x0: {  	(pc) =	sbr.rel $0x88, $3  }
0x1: {  	(tag) =	ssettag $0x0;
	lr =	simm.s32 $0x1  }
0x2: {  	[smem:$0x3F9D] =	sst lr;
	_ =	strace $0xD0000000  }
0x3: {  	_ = 	snop  }
0x4: {  	_ = 	snop  }
0x5: {  	_ = 	snop  }
0x6: {  	_ = 	snop  }
0x7: {  	_ = 	snop  }
__scs_overlays_trampoline_lowered:
0x8: {  	[smem:$0x3FAC] =	sst s0  }
0x9: {  	[smem:$0x3FAD] =	sst s1  }
0xa: {  	[smem:$0x3FAE] =	sst s2  }
0xb: {  	[smem:$0x3FAF] =	sst s3  }
0xc: {  	[smem:$0x3FB0] =	sst s4  }
0xd: {  	[smem:$0x3FB1] =	sst s5  }
0xe: {  	[smem:$0x3FB2] =	sst s6  }
0xf: {  	[smem:$0x3FB3] =	sst s7  }
0x10: {  	[smem:$0x3FB4] =	sst s8  }
0x11: {  	[smem:$0x3FB5] =	sst s9;
	s0 =	simm.s32 @!p0 $0x0  }
0x12: {  	s1 =	sld [smem:$0x3F9B];
	s0 =	simm.s32 @p0 $0x1  }
0x13: {  	[smem:$0x3FB6] =	sst s0;
	s0 =	simm.s32 @!p1 $0x0  }
0x14: {  	s2 =	sld [smem:$0x3F9A];
	s0 =	simm.s32 @p1 $0x1  }
0x15: {  	[smem:$0x3FB7] =	sst s0;
	s0 =	simm.s32 @!p2 $0x0  }
0x16: {  	s3 =	sld [smem:$0x3FDB];
	s0 =	simm.s32 @p2 $0x1  }
0x17: {  	s4 =	simm.s32 $0x1BF5;
	[smem:$0x3FB9] =	sst s0  }
0x18: {  	s0 =	sld [smem:$0x3F9C];
	_ =	swait.ge [sflag:s4], $0x0  }
0x19: {  	s7 =	sld [smem:$0x3F9D]  }
0x1a: {  	s8 =	sadd.s32 $0xFFFFE003, lr  }
0x1b: {  	s9 =	sadd.s32 $0xFFFFFEF7, lr;
	s5 =	simm.s32 $0xFFFFFFFF;
	p2 =	slt.u32 s8, $0xFFFFF086  }
0x1c: {  	p1 =	slt.u32 s9, $0xF7A;
	s5 =	simm.s32 @!p2 $0x0  }
0x1d: {  	s5 =	simm.s32 @p1 $0x1;
	p0 =	seq.s32 s7, s2  }
0x1e: {  	s7 =	smul.u32 @!p0 $0xF7A, s2;
	p2 =	seq.s32 @!p0 s5, $0x0  }
0x1f: {  	s9 =	smul.u32 $0xF7A, s1;
	s8 =	simm.s32 @!p0 $0x1BF5;
	p2 =	por !p2, p0  }
0x20: {  	[sflag:s8] =	ssyncset.s32 @!p0 $0xFFFFF086;
	s6 =	sadd.s32 @!p0 s3, s7;
	s7 =	simm.s32 @!p0 $0x108  }
0x21: {  	s3 =	sadd.s32 s3, s9;
	s6 =	sadd.s32 @!p0 $0x88, s6;
	s7 =	simm.s32 @p2 $0x1082  }
0x22: {  	[simem:s7], [sflag:s8] =	dma.local @!p0 [hbm:s6], $0xF7A  }
0x23: {  	s9 =	sor.u32 $0xD0000000, s2;
	s6 =	simm.s32 $0x108;
	_ =	swait.ge @!p0 [sflag:s8], $0x0  }
0x24: {  	s3 =	sadd.s32 $0x88, s3;
	s6 =	simm.s32 @!p1 $0x1082;
	[sflag:s4] =	ssyncset.s32 $0xFFFFF086  }
0x25: {  	[simem:s6], [sflag:s4] =	dma.local [hbm:s3], $0xF7A  }
0x26: {  	[smem:$0x3F9D] =	sst s1;
	(tag) =	ssettag s2;
	_ =	strace s9  }
0x27: {  	s1 =	sld [smem:$0x3FAD]  }
0x28: {  	s2 =	sld [smem:$0x3FAE]  }
0x29: {  	s4 =	sld [smem:$0x3FB0]  }
0x2a: {  	p0 =	seq.s32 s5, $0x0;
	s5 =	sld [smem:$0x3FB1]  }
0x2b: {  	s6 =	sld [smem:$0x3FB2]  }
0x2c: {  	s7 =	sld [smem:$0x3FB3]  }
0x2d: {  	s3 =	simm.s32 $0x108;
	s8 =	sld [smem:$0x3FB4]  }
0x2e: {  	s3 =	simm.s32 @!p0 $0x1082;
	s9 =	sld [smem:$0x3FB5]  }
0x2f: {  	lr =	sadd.s32 s0, s3;
	s0 =	sld [smem:$0x3FAC]  }
0x30: {  	s3 =	sld [smem:$0x3FAF]  }
0x31: {  	[smem:$0x3FB8] =	sst s10  }
0x32: {  	s10 =	sld [smem:$0x3FB6];
	_ =	sdelay $0x3  }
0x33: {  	p0 =	seq.s32 s10, $0x1;
	s10 =	sld [smem:$0x3FB8];
	_ =	sdelay $0x3  }
0x34: {  	[smem:$0x3FB8] =	sst s10  }
0x35: {  	s10 =	sld [smem:$0x3FB7];
	_ =	sdelay $0x3  }
0x36: {  	p1 =	seq.s32 s10, $0x1;
	s10 =	sld [smem:$0x3FB8];
	_ =	sdelay $0x3  }
0x37: {  	[smem:$0x3FB8] =	sst s10  }
0x38: {  	s10 =	sld [smem:$0x3FB9]  }
0x39: {  	_ = 	snop;
	(pc) =	sbr.ind lr, $3  }
0x3a: {  	_ = 	snop  }
0x3b: {  	_ = 	snop  }
0x3c: {  	p2 =	seq.s32 s10, $0x1;
	s10 =	sld [smem:$0x3FB8]  }
0x3d: {  	_ =	shalt  }
0x3e: {  	_ =	shalt  }
0x3f: {  	_ =	shalt  }
0x40: {  	_ =	shalt  }
0x41: {  	_ =	shalt  }
0x42: {  	_ =	shalt  }
0x43: {  	_ =	shalt  }
0x44: {  	_ =	shalt  }
0x45: {  	_ =	shalt  }
0x46: {  	_ =	shalt  }
0x47: {  	_ =	shalt  }
0x48: {  	_ =	shalt  }
0x49: {  	_ =	shalt  }
0x4a: {  	_ =	shalt  }
0x4b: {  	_ =	shalt  }
0x4c: {  	_ =	shalt  }
0x4d: {  	_ =	shalt  }
0x4e: {  	_ =	shalt  }
0x4f: {  	_ =	shalt  }
0x50: {  	_ =	shalt  }
0x51: {  	_ =	shalt  }
0x52: {  	_ =	shalt  }
0x53: {  	_ =	shalt  }
0x54: {  	_ =	shalt  }
0x55: {  	_ =	shalt  }
0x56: {  	_ =	shalt  }
0x57: {  	_ =	shalt  }
0x58: {  	_ =	shalt  }
0x59: {  	_ =	shalt  }
0x5a: {  	_ =	shalt  }
0x5b: {  	_ =	shalt  }
0x5c: {  	_ =	shalt  }
0x5d: {  	_ =	shalt  }
0x5e: {  	_ =	shalt  }
0x5f: {  	_ =	shalt  }
0x60: {  	_ =	shalt  }
0x61: {  	_ =	shalt  }
0x62: {  	_ =	shalt  }
0x63: {  	_ =	shalt  }
0x64: {  	_ =	shalt  }
0x65: {  	_ =	shalt  }
0x66: {  	_ =	shalt  }
0x67: {  	_ =	shalt  }
0x68: {  	_ =	shalt  }
0x69: {  	_ =	shalt  }
0x6a: {  	_ =	shalt  }
0x6b: {  	_ =	shalt  }
0x6c: {  	_ =	shalt  }
0x6d: {  	_ =	shalt  }
0x6e: {  	_ =	shalt  }
0x6f: {  	_ =	shalt  }
0x70: {  	_ =	shalt  }
0x71: {  	_ =	shalt  }
0x72: {  	_ =	shalt  }
0x73: {  	_ =	shalt  }
0x74: {  	_ =	shalt  }
0x75: {  	_ =	shalt  }
0x76: {  	_ =	shalt  }
0x77: {  	_ =	shalt  }
0x78: {  	_ =	shalt  }
0x79: {  	_ =	shalt  }
0x7a: {  	_ =	shalt  }
0x7b: {  	_ =	shalt  }
0x7c: {  	_ =	shalt  }
0x7d: {  	_ =	shalt  }
0x7e: {  	_ =	shalt  }
0x7f: {  	_ =	shalt  }
0x80: {  	_ =	shalt  }
0x81: {  	_ =	shalt  }
0x82: {  	_ =	shalt  }
0x83: {  	_ =	shalt  }
0x84: {  	_ =	shalt  }
0x85: {  	_ =	shalt  }
0x86: {  	_ =	shalt  }
0x87: {  	_ =	shalt  }
.Lfunc_end0:
.L_simem_size_0:
called_computation_lowered:
.L_overlay_start_0:
0x88: {  	s2 =	sld [smem:$0x3FD9]  }
0x89: {  	s3 =	sld [smem:$0x3FFE];
	_ =	sdelay $0x1  }
0x8a: {  	s1 =	srdreg.scid  }
0x8b: {  	s0 =	sand.u32 $0x1, s1  }
0x8c: {  	s18 =	sshll.u32 s0, $0xA;
	s2 =	sadd.s32 s3, s2  }
0x8d: {  	s2 =	sadd.s32 s2, s18  }
0x8e: {  	[smem:$0x3FC4] =	sst s2  }
0x8f: {  	_ = 	snop  }
0x90: {  	s2 =	sld [smem:$0x3FC9]  }
0x91: {  	s19 =	sld [smem:$0x3FC8]  }
0x92: {  	s4 =	sld [smem:$0x3FD0];
	(tm) =	ssettm $0x1  }
0x93: {  	s5 =	sld [smem:$0x3FFB];
	_ =	sdelay $0x3  }
0x94: {  	_ =	strace s5  }
0x95: {  	s5 =	sld [smem:$0x3FFC];
	_ =	sdelay $0x3  }
0x96: {  	_ =	strace s5  }
0x97: {  	s5 =	sld [smem:$0x3FFD];
	_ =	sdelay $0x3  }
0x98: {  	_ =	strace s5  }
0x99: {  	_ =	strace $0x8FFFFFFF  }
0x9a: {  	s20 =	sld [smem:$0x3FDB];
	_ =	sdelay $0x1  }
0x9b: {  	s6 =	simm.s32 $_scs_section_size  }
0x9c: {  	s7 =	simm.s32 $_size__tile_overlayer_lowered;
	s8 =	simm.s32 $_tile_overlayer_lowered  }
0x9d: {  	s23 =	simm.s32 $0x1BFF;
	s22 =	sshll.u32 s8, $0x1;
	s5 =	sadd.s32 s6, s20  }
0x9e: {  	s9 =	simm.s32 $0x0;
	s21 =	sshll.u32 s7, $0x1;
	s7 =	sadd.s32 s22, s5  }
0x9f: {  	[timem:s9], [sflag:s23] =	dma.local [hbm:s7], s21  }
0xa0: {  	_ =	swait.ge [sflag:s23], s21  }
0xa1: {  	s6 =	ssub.s32 $0x0, s21;
	[sflag:s23] =	ssyncset.done $0x0  }
0xa2: {  	[sflag:s23] =	ssyncadd.s32 s6;
	_ =	sdelay $0x1  }
0xa3: {  	s24 =	simm.s32 $0x1B8B  }
0xa4: {  	_ =	swait.ge [sflag:s24], $0x1  }
0xa5: {  	[sflag:s24] =	ssyncset.done $0x0  }
0xa6: {  	s25 =	simm.s32 $0x1B8E;
	[sflag:s24] =	ssyncadd.s32 $0xFFFFFFFF  }
0xa7: {  	s26 =	simm.s32 $execute0_lowered;
	[smem:$0x3FD2] =	sst s25  }
0xa8: {  	s6 =	sshll.u32 s26, $0x1;
	_ =	strace $0x80000046;
	[dreg:$0x1] =	wrdreg $0xFFFFFFFF  }
0xa9: {  	s28 =	simm.s32 $_size_execute0_lowered;
	s5 =	sadd.s32 s5, s6;
	[dreg:$0x0] =	wrdreg $0x0  }
0xaa: {  	s6 =	sshll.u32 s28, $0x1;
	[dreg:$0x2] =	wrdreg s5  }
0xab: {  	[dreg:$0x3] =	wrdreg s6  }
0xac: {  	[dreg:$0x4] =	wrdreg $0xC0  }
0xad: {  	_ =	task [dreg:s9], $0x5FFFF  }
0xae: {  	[dreg:$0x1] =	wrdreg $0xFFFFFFFF  }
0xaf: {  	[dreg:$0x0] =	wrdreg $0x60  }
0xb0: {  	[dreg:$0x2] =	wrdreg s19  }
0xb1: {  	[dreg:$0x3] =	wrdreg s2  }
0xb2: {  	[dreg:$0x4] =	wrdreg s4  }
0xb3: {  	[dreg:$0x5] =	wrdreg $0x9  }
0xb4: {  	_ =	task.clear_ibuf [dreg:s9], $0x6FFFF;
	_ =	strace $0x90000046  }
0xb5: {  	s29 =	simm.s32 $0x9;
	_ =	strace $0x80000048  }
0xb6: {  	_ =	swait.ge [sflag:s29], $0x1  }
0xb7: {  	[sflag:s29] =	ssyncadd.s32 $0xFFFFFFFF  }
0xb8: {  	_ =	strace $0x90000048  }
0xb9: {  	_ =	sfence  }
0xba: {  	s30 =	sld [smem:$0x0];
	_ =	sdelay $0x2  }
0xbb: {  	s31 =	sshll.u32 s1, $0xD;
	s1 =	sshrl.u32 s1, $0x2  }
0xbc: {  	s3 =	sand.u32 $0x4000, s31;
	s1 =	sadd.s32 s1, s30  }
0xbd: {  	s0 =	sor.u32 s3, s0;
	s1 =	sshll.u32 s1, $0x11  }
0xbe: {  	s0 =	sor.u32 s1, s0  }
0xbf: {  	s0 =	sadd.s32 $0x8F2B, s0  }
0xc0: {  	[sflag:s0] =	ssyncadd.remote.s32 $0x1  }
0xc1: {  	_ =	sfence.sel $0xFFFF  }
0xc2: {  	[dreg:$0x0] =	wrdreg $0xFFFFFFFF;
	(pc) =	sbr.abs _section_cstart, $3  }
0xc3: {  	[dreg:$0x1] =	wrdreg $0xFFFFFFFF  }
0xc4: {  	_ =	task.clear_ibuf [dreg:s9], $0x2FFFF;
	_ =	strace $0x9FFFFFFF  }
0xc5: {  	(tm) =	ssettm $0x7FFFFFFF  }
tec
execute0_lowered:
.L_overlay_start_1:
0x0: {  	(tag) =	ssettag $0x1  }
0x1: {  	s1 =	rddreg [dreg:$0x0]  }
0x2: {  	s4 =	rddreg [dreg:$0x1]  }
0x3: {  	s5 =	rddreg [dreg:$0x2]  }
0x4: {  	s0 =	rddreg [dreg:$0x3];
	s6 =	srdreg.scid  }
0x5: {  	s3 =	simm.s32 $0x0;
	s2 =	stileid.u32;
	s10 =	simm.s32 $0x100  }
0x6: {  	s11 =	simm.s32 $0x2100;
	s12 =	simm.s32 $0x4100;
	s13 =	simm.s32 $0x6100  }
0x7: {  	s14 =	simm.s32 $0x8100;
	s15 =	simm.s32 $0xA100;
	s16 =	simm.s32 $0xC100  }
0x8: {  	s17 =	simm.s32 $0xE100;
	s18 =	simm.s32 $0x1;
	s19 =	simm.s32 $0x10100  }
0x9: {  	s20 =	simm.s32 $0x8000;
	s21 =	simm.s32 $0x0;
	s6 =	sand.u32 $0x1, s6  }
0xa: {  	vm0 =	vmmov $0x1;
	[smem:$0x7FF] =	sst s3;
	s8 =	sshll.u32 s2, $0x1;
	s7 =	ssub.s32 $0x2, s6  }
0xb: {  	vm1 =	vcmask $0x308;
	vm2 =	vcmask $0x70C;
	v0 =	vlaneseq.u32;
	_ =	strace $0x80000047;
	s6 =	sor.u32 s6, s8;
	s9 =	sshrl.u32 s7, $0x1  }
0xc: {  	vm3 =	vcmask $0xB10;
	vm4 =	vcmask $0xF14;
	v0 =	vmul.u32 $0x80, v0;
	s8 =	sshll.u32 s6, $0x4;
	s6 =	sshll.u32 s6, $0x7;
	s7 =	ssub.s32 s7, s9  }
0xd: {  	vm5 =	vcmask $0x1318;
	vm6 =	vcmask $0x171C;
	vm7 =	vcmask $0x1B20;
	s4 =	sadd.s32 s4, s8;
	s5 =	sadd.s32 s5, s6;
	s8 =	simm.s32 $0x400  }
0xe: {  	v1 =	vor.u32 $0x800, v0;
	v2 =	vor.u32 $0x1000, v0;
	v3 =	vor.u32 $0x1800, v0;
	s9 =	simm.s32 $0x7A1400;
	s6 =	smax.u32 s7, $0x1;
	s7 =	simm.s32 $0x2  }
.LBB2_1:
0xf: {  	[tilespmem:s3], [sflag:$0x2] =	stream.linear.gather [hbm4b:s4+s3], $0x80, $0x38;
	[tilespmem:$0x12100] =	vst v63  }
0x10: {  	_ =	swait.ge [sflag:s7], $0x80  }
0x11: {  	[sflag:s7] =	ssyncset.done $0x0  }
0x12: {  	[sflag:s7] =	ssyncadd.s32 $0xFFFFFF80  }
0x13: {  	v4 =	vld [tilespmem:s3+$0x0];
	_ =	sdelay $0x4  }
0x14: {  	v5 =	vand.u32 $0xFFFFFF80, v4  }
0x15: {  	v6 =	vnsel vm0, $0x0, v5  }
0x16: {  	v7 =	vsel vm1, $0x0, v5;
	(xrf0) =	vadd.scan.msk.s32 $0xffff, v6  }
0x17: {  	v6 =	vsel vm2, $0x0, v5;
	(xrf0) =	vadd.scan.msk.s32 $0xffff, v7  }
0x18: {  	(xrf0) =	vadd.scan.msk.s32 $0xffff, v6;
	v6 =	vsel vm3, $0x0, v5  }
0x19: {  	(xrf0) =	vadd.scan.msk.s32 $0xffff, v6;
	v6 =	vsel vm4, $0x0, v5;
	_ =	sdelay $0x2  }
0x1a: {  	(xrf0) =	vadd.scan.msk.s32 $0xffff, v6;
	v6, _, _ =	vpop (xrf0)  }
0x1b: {  	v7 =	vsel vm5, $0x0, v5;
	(v2sf) =	vpush v6, $0xF;
	v6, _, _ =	vpop (xrf0)  }
0x1c: {  	(xrf0) =	vadd.scan.msk.s32 $0xffff, v7;
	(v2sf) =	vpush v6, $0xF;
	v6, _, _ =	vpop (xrf0)  }
0x1d: {  	v7 =	vsel vm6, $0x0, v5;
	v5 =	vsel vm7, $0x0, v5;
	(v2sf) =	vpush v6, $0xF  }
0x1e: {  	(xrf0) =	vadd.scan.msk.s32 $0xffff, v7;
	v6, _, _ =	vpop (xrf0)  }
0x1f: {  	(v2sf) =	vpush v6, $0xF  }
0x20: {  	(xrf0) =	vadd.scan.msk.s32 $0xffff, v5;
	v5, _, _ =	vpop (xrf0)  }
0x21: {  	(v2sf) =	vpush v5, $0xF  }
0x22: {  	v5, _, _ =	vpop (xrf0)  }
0x23: {  	(v2sf) =	vpush v5, $0xF  }
0x24: {  	v5, _, _ =	vpop (xrf0)  }
0x25: {  	(v2sf) =	vpush v5, $0xF  }
0x26: {  	v5, _, _ =	vpop (xrf0)  }
0x27: {  	v4 =	vand.u32 $0x7F, v4;
	(v2sf) =	vpush v5, $0xF  }
0x28: {  	v5 =	vnsel vm0, $0x0, v4  }
0x29: {  	v6 =	vsel vm1, $0x0, v4;
	(xrf0) =	vadd.scan.msk.s32 $0xffff, v5  }
0x2a: {  	v5 =	vsel vm2, $0x0, v4;
	(xrf0) =	vadd.scan.msk.s32 $0xffff, v6;
	s22 =	spop (v2sf)  }
0x2b: {  	v6 =	vsel vm3, $0x0, v4;
	(xrf0) =	vadd.scan.msk.s32 $0xffff, v5;
	s22 =	sand.u32 $0xFFFFF80, s22;
	s23 =	spop (v2sf)  }
0x2c: {  	(xrf0) =	vadd.scan.msk.s32 $0xffff, v6;
	s22 =	sadd.s32 s1, s22;
	s23 =	sand.u32 $0xFFFFF80, s23;
	s24 =	spop (v2sf)  }
0x2d: {  	v5 =	vsel vm4, $0x0, v4;
	[tilespmem:s10], [sflag:$0x1] =	stream.strided.gather [hbm4b:s22+s8], $0x2000, s9, s8, $0x38;
	[tilespmem:$0x12100] =	vst v63  }
0x2e: {  	(xrf0) =	vadd.scan.msk.s32 $0xffff, v5;
	s25 =	sadd.s32 s1, s23;
	s26 =	sand.u32 $0xFFFFF80, s24;
	s28 =	spop (v2sf)  }
0x2f: {  	v5 =	vsel vm5, $0x0, v4;
	[tilespmem:s11], [sflag:$0x1] =	stream.strided.gather [hbm4b:s25+s8], $0x2000, s9, s8, $0x38;
	[tilespmem:$0x12100] =	vst v63  }
0x30: {  	(xrf0) =	vadd.scan.msk.s32 $0xffff, v5;
	s29 =	sadd.s32 s1, s26;
	s30 =	sand.u32 $0xFFFFF80, s28;
	s31 =	spop (v2sf)  }
0x31: {  	v5 =	vsel vm6, $0x0, v4;
	[tilespmem:s12], [sflag:$0x1] =	stream.strided.gather [hbm4b:s29+s8], $0x2000, s9, s8, $0x38;
	[tilespmem:$0x12100] =	vst v63  }
0x32: {  	(xrf0) =	vadd.scan.msk.s32 $0xffff, v5;
	s25 =	sadd.s32 s1, s30;
	s26 =	sand.u32 $0xFFFFF80, s31;
	s28 =	spop (v2sf)  }
0x33: {  	v4 =	vsel vm7, $0x0, v4;
	[tilespmem:s13], [sflag:$0x1] =	stream.strided.gather [hbm4b:s25+s8], $0x2000, s9, s8, $0x38;
	[tilespmem:$0x12100] =	vst v63  }
0x34: {  	v7, _, _ =	vpop (xrf0);
	(xrf0) =	vadd.scan.msk.s32 $0xffff, v4;
	s29 =	sadd.s32 s1, s26;
	s30 =	sand.u32 $0xFFFFF80, s28;
	s31 =	spop (v2sf)  }
0x35: {  	v8, _, _ =	vpop (xrf0);
	[tilespmem:s14], [sflag:$0x1] =	stream.strided.gather [hbm4b:s29+s8], $0x2000, s9, s8, $0x38;
	[tilespmem:$0x12100] =	vst v63  }
0x36: {  	v9, _, _ =	vpop (xrf0);
	s25 =	sadd.s32 s1, s30;
	s26 =	sand.u32 $0xFFFFF80, s31;
	s28 =	spop (v2sf)  }
0x37: {  	v10, _, _ =	vpop (xrf0);
	[tilespmem:s15], [sflag:$0x1] =	stream.strided.gather [hbm4b:s25+s8], $0x2000, s9, s8, $0x38;
	[tilespmem:$0x12100] =	vst v63  }
0x38: {  	v11, _, _ =	vpop (xrf0);
	s30 =	sand.u32 $0xFFFFF80, s28;
	s29 =	sadd.s32 s1, s26  }
0x39: {  	v6, _, _ =	vpop (xrf0);
	[tilespmem:s16], [sflag:$0x1] =	stream.strided.gather [hbm4b:s29+s8], $0x2000, s9, s8, $0x38;
	[tilespmem:$0x12100] =	vst v63  }
0x3a: {  	v5, _, _ =	vpop (xrf0);
	s31 =	sadd.s32 s1, s30  }
0x3b: {  	v4, _, _ =	vpop (xrf0);
	[tilespmem:s17], [sflag:$0x1] =	stream.strided.gather [hbm4b:s31+s8], $0x2000, s9, s8, $0x38;
	[tilespmem:$0x12100] =	vst v63  }
0x3c: {  	_ =	swait.ge [sflag:s18], $0x2000  }
0x3d: {  	[sflag:s18] =	ssyncset.done $0x0  }
0x3e: {  	[sflag:s18] =	ssyncadd.s32 $0xFFFFE000  }
0x3f: {  	_ =	swait.ge [sflag:s18], $0x2000  }
0x40: {  	[sflag:s18] =	ssyncset.done $0x0  }
0x41: {  	[sflag:s18] =	ssyncadd.s32 $0xFFFFE000  }
0x42: {  	_ =	swait.ge [sflag:s18], $0x2000  }
0x43: {  	[sflag:s18] =	ssyncset.done $0x0  }
0x44: {  	[sflag:s18] =	ssyncadd.s32 $0xFFFFE000  }
0x45: {  	_ =	swait.ge [sflag:s18], $0x2000  }
0x46: {  	[sflag:s18] =	ssyncset.done $0x0  }
0x47: {  	[sflag:s18] =	ssyncadd.s32 $0xFFFFE000  }
0x48: {  	_ =	swait.ge [sflag:s18], $0x2000  }
0x49: {  	[sflag:s18] =	ssyncset.done $0x0  }
0x4a: {  	[sflag:s18] =	ssyncadd.s32 $0xFFFFE000  }
0x4b: {  	_ =	swait.ge [sflag:s18], $0x2000  }
0x4c: {  	[sflag:s18] =	ssyncset.done $0x0  }
0x4d: {  	v7 =	vbroadcast v7, $0xF;
	[sflag:s18] =	ssyncadd.s32 $0xFFFFE000  }
0x4e: {  	_ =	swait.ge [sflag:s18], $0x2000  }
0x4f: {  	s23 =	simm.s32 $0x0;
	v12 =	vadd.s32 v0, v7;
	[sflag:s18] =	ssyncset.done $0x0  }
0x50: {  	v13 =	vmov s23;
	[sflag:s18] =	ssyncadd.s32 $0xFFFFE000  }
0x51: {  	v13 =	vand.u32 $0x78, v13;
	_ =	swait.ge [sflag:s18], $0x2000  }
0x52: {  	v13 =	vbroadcast v13, $0x0;
	[sflag:s18] =	ssyncset.done $0x0  }
0x53: {  	[sflag:s18] =	ssyncadd.s32 $0xFFFFE000  }
0x54: {  	v14 =	vor.u32 v0, v13;
	v12 =	vld.idx.msk [tilespmem:v12+s10+$0x0], $0xffff  }
0x55: {  	v15 =	vadd.s32 v1, v7;
	_ =	sdelay $0x3  }
0x56: {  	[tilespmem:v14+s19+$0x0] =	vst.idx.msk $0xffff, v12  }
0x57: {  	v61 =	vor.u32 v1, v13;
	v12 =	vld.idx.msk [tilespmem:v15+s10+$0x0], $0xffff  }
0x58: {  	v62 =	vadd.s32 v2, v7;
	_ =	sdelay $0x3  }
0x59: {  	[tilespmem:v61+s19+$0x0] =	vst.idx.msk $0xffff, v12  }
0x5a: {  	v63 =	vor.u32 v2, v13;
	v12 =	vld.idx.msk [tilespmem:v62+s10+$0x0], $0xffff  }
0x5b: {  	v7 =	vadd.s32 v3, v7;
	_ =	sdelay $0x3  }
0x5c: {  	v8 =	vbroadcast v8, $0xF;
	[tilespmem:v63+s19+$0x0] =	vst.idx.msk $0xffff, v12  }
0x5d: {  	v16 =	vor.u32 v3, v13;
	v7 =	vld.idx.msk [tilespmem:v7+s10+$0x0], $0xffff  }
0x5e: {  	s24 =	simm.s32 $0x1;
	v17 =	vadd.s32 v0, v8  }
0x5f: {  	v18 =	vmov s24  }
0x60: {  	v14 =	vand.u32 $0x79, v18  }
0x61: {  	v14 =	vbroadcast v14, $0x0  }
0x62: {  	[tilespmem:v16+s19+$0x0] =	vst.idx.msk $0xffff, v7  }
0x63: {  	v19 =	vor.u32 v0, v14;
	v7 =	vld.idx.msk [tilespmem:v17+s11+$0x0], $0xffff  }
0x64: {  	v20 =	vadd.s32 v1, v8;
	_ =	sdelay $0x3  }
0x65: {  	[tilespmem:v19+s19+$0x0] =	vst.idx.msk $0xffff, v7  }
0x66: {  	v21 =	vor.u32 v1, v14;
	v7 =	vld.idx.msk [tilespmem:v20+s11+$0x0], $0xffff  }
0x67: {  	v22 =	vadd.s32 v2, v8;
	_ =	sdelay $0x3  }
0x68: {  	[tilespmem:v21+s19+$0x0] =	vst.idx.msk $0xffff, v7  }
0x69: {  	v23 =	vor.u32 v2, v14;
	v7 =	vld.idx.msk [tilespmem:v22+s11+$0x0], $0xffff  }
0x6a: {  	v8 =	vadd.s32 v3, v8;
	_ =	sdelay $0x3  }
0x6b: {  	v9 =	vbroadcast v9, $0xF;
	[tilespmem:v23+s19+$0x0] =	vst.idx.msk $0xffff, v7  }
0x6c: {  	v24 =	vor.u32 v3, v14;
	v7 =	vld.idx.msk [tilespmem:v8+s11+$0x0], $0xffff  }
0x6d: {  	v25 =	vadd.s32 v0, v9;
	s25 =	simm.s32 $0x2  }
0x6e: {  	v26 =	vmov s25  }
0x6f: {  	v13 =	vand.u32 $0x7A, v26  }
0x70: {  	v13 =	vbroadcast v13, $0x0  }
0x71: {  	[tilespmem:v24+s19+$0x0] =	vst.idx.msk $0xffff, v7  }
0x72: {  	v27 =	vor.u32 v0, v13;
	v7 =	vld.idx.msk [tilespmem:v25+s12+$0x0], $0xffff  }
0x73: {  	v28 =	vadd.s32 v1, v9;
	_ =	sdelay $0x3  }
0x74: {  	[tilespmem:v27+s19+$0x0] =	vst.idx.msk $0xffff, v7  }
0x75: {  	v29 =	vor.u32 v1, v13;
	v7 =	vld.idx.msk [tilespmem:v28+s12+$0x0], $0xffff  }
0x76: {  	v30 =	vadd.s32 v2, v9;
	_ =	sdelay $0x3  }
0x77: {  	[tilespmem:v29+s19+$0x0] =	vst.idx.msk $0xffff, v7  }
0x78: {  	v31 =	vor.u32 v2, v13;
	v7 =	vld.idx.msk [tilespmem:v30+s12+$0x0], $0xffff  }
0x79: {  	v9 =	vadd.s32 v3, v9;
	_ =	sdelay $0x3  }
0x7a: {  	v10 =	vbroadcast v10, $0xF;
	[tilespmem:v31+s19+$0x0] =	vst.idx.msk $0xffff, v7  }
0x7b: {  	v32 =	vor.u32 v3, v13;
	v7 =	vld.idx.msk [tilespmem:v9+s12+$0x0], $0xffff  }
0x7c: {  	v33 =	vadd.s32 v0, v10;
	s26 =	simm.s32 $0x3  }
0x7d: {  	v34 =	vmov s26  }
0x7e: {  	v12 =	vand.u32 $0x7B, v34  }
0x7f: {  	v12 =	vbroadcast v12, $0x0  }
0x80: {  	[tilespmem:v32+s19+$0x0] =	vst.idx.msk $0xffff, v7  }
0x81: {  	v35 =	vor.u32 v0, v12;
	v7 =	vld.idx.msk [tilespmem:v33+s13+$0x0], $0xffff  }
0x82: {  	v36 =	vadd.s32 v1, v10;
	_ =	sdelay $0x3  }
0x83: {  	[tilespmem:v35+s19+$0x0] =	vst.idx.msk $0xffff, v7  }
0x84: {  	v37 =	vor.u32 v1, v12;
	v7 =	vld.idx.msk [tilespmem:v36+s13+$0x0], $0xffff  }
0x85: {  	v38 =	vadd.s32 v2, v10;
	_ =	sdelay $0x3  }
0x86: {  	[tilespmem:v37+s19+$0x0] =	vst.idx.msk $0xffff, v7  }
0x87: {  	v39 =	vor.u32 v2, v12;
	v7 =	vld.idx.msk [tilespmem:v38+s13+$0x0], $0xffff  }
0x88: {  	v40 =	vadd.s32 v3, v10;
	_ =	sdelay $0x3  }
0x89: {  	v41 =	vbroadcast v11, $0xF;
	[tilespmem:v39+s19+$0x0] =	vst.idx.msk $0xffff, v7  }
0x8a: {  	v42 =	vor.u32 v3, v12;
	v7 =	vld.idx.msk [tilespmem:v40+s13+$0x0], $0xffff  }
0x8b: {  	v43 =	vadd.s32 v0, v41;
	s28 =	simm.s32 $0x4  }
0x8c: {  	v44 =	vmov s28  }
0x8d: {  	v11 =	vand.u32 $0x7C, v44  }
0x8e: {  	v11 =	vbroadcast v11, $0x0  }
0x8f: {  	[tilespmem:v42+s19+$0x0] =	vst.idx.msk $0xffff, v7  }
0x90: {  	v45 =	vor.u32 v0, v11;
	v7 =	vld.idx.msk [tilespmem:v43+s14+$0x0], $0xffff  }
0x91: {  	v46 =	vadd.s32 v1, v41;
	_ =	sdelay $0x3  }
0x92: {  	[tilespmem:v45+s19+$0x0] =	vst.idx.msk $0xffff, v7  }
0x93: {  	v47 =	vor.u32 v1, v11;
	v7 =	vld.idx.msk [tilespmem:v46+s14+$0x0], $0xffff  }
0x94: {  	v48 =	vadd.s32 v2, v41;
	_ =	sdelay $0x3  }
0x95: {  	[tilespmem:v47+s19+$0x0] =	vst.idx.msk $0xffff, v7  }
0x96: {  	v49 =	vor.u32 v2, v11;
	v7 =	vld.idx.msk [tilespmem:v48+s14+$0x0], $0xffff  }
0x97: {  	v50 =	vadd.s32 v3, v41;
	_ =	sdelay $0x3  }
0x98: {  	v6 =	vbroadcast v6, $0xF;
	[tilespmem:v49+s19+$0x0] =	vst.idx.msk $0xffff, v7  }
0x99: {  	v51 =	vor.u32 v3, v11;
	v7 =	vld.idx.msk [tilespmem:v50+s14+$0x0], $0xffff  }
0x9a: {  	v52 =	vadd.s32 v0, v6;
	s29 =	simm.s32 $0x5  }
0x9b: {  	v53 =	vmov s29  }
0x9c: {  	v10 =	vand.u32 $0x7D, v53  }
0x9d: {  	v10 =	vbroadcast v10, $0x0  }
0x9e: {  	[tilespmem:v51+s19+$0x0] =	vst.idx.msk $0xffff, v7  }
0x9f: {  	v54 =	vor.u32 v0, v10;
	v7 =	vld.idx.msk [tilespmem:v52+s15+$0x0], $0xffff  }
0xa0: {  	v55 =	vadd.s32 v1, v6;
	_ =	sdelay $0x3  }
0xa1: {  	[tilespmem:v54+s19+$0x0] =	vst.idx.msk $0xffff, v7  }
0xa2: {  	v56 =	vor.u32 v1, v10;
	v7 =	vld.idx.msk [tilespmem:v55+s15+$0x0], $0xffff  }
0xa3: {  	v57 =	vadd.s32 v2, v6;
	_ =	sdelay $0x3  }
0xa4: {  	[tilespmem:v56+s19+$0x0] =	vst.idx.msk $0xffff, v7  }
0xa5: {  	v58 =	vor.u32 v2, v10;
	v7 =	vld.idx.msk [tilespmem:v57+s15+$0x0], $0xffff  }
0xa6: {  	v6 =	vadd.s32 v3, v6;
	_ =	sdelay $0x3  }
0xa7: {  	v5 =	vbroadcast v5, $0xF;
	[tilespmem:v58+s19+$0x0] =	vst.idx.msk $0xffff, v7  }
0xa8: {  	v7 =	vor.u32 v3, v10;
	v6 =	vld.idx.msk [tilespmem:v6+s15+$0x0], $0xffff  }
0xa9: {  	v59 =	vadd.s32 v0, v5;
	s30 =	simm.s32 $0x6  }
0xaa: {  	v60 =	vmov s30  }
0xab: {  	v9 =	vand.u32 $0x7E, v60  }
0xac: {  	v9 =	vbroadcast v9, $0x0  }
0xad: {  	[tilespmem:v7+s19+$0x0] =	vst.idx.msk $0xffff, v6  }
0xae: {  	v7 =	vor.u32 v0, v9;
	v6 =	vld.idx.msk [tilespmem:v59+s16+$0x0], $0xffff  }
0xaf: {  	v61 =	vadd.s32 v1, v5;
	_ =	sdelay $0x3  }
0xb0: {  	[tilespmem:v7+s19+$0x0] =	vst.idx.msk $0xffff, v6  }
0xb1: {  	v7 =	vor.u32 v1, v9;
	v6 =	vld.idx.msk [tilespmem:v61+s16+$0x0], $0xffff  }
0xb2: {  	v62 =	vadd.s32 v2, v5;
	_ =	sdelay $0x3  }
0xb3: {  	[tilespmem:v7+s19+$0x0] =	vst.idx.msk $0xffff, v6  }
0xb4: {  	v7 =	vor.u32 v2, v9;
	v6 =	vld.idx.msk [tilespmem:v62+s16+$0x0], $0xffff  }
0xb5: {  	v5 =	vadd.s32 v3, v5;
	_ =	sdelay $0x3  }
0xb6: {  	v4 =	vbroadcast v4, $0xF;
	[tilespmem:v7+s19+$0x0] =	vst.idx.msk $0xffff, v6  }
0xb7: {  	v6 =	vor.u32 v3, v9;
	v5 =	vld.idx.msk [tilespmem:v5+s16+$0x0], $0xffff  }
0xb8: {  	s31 =	simm.s32 $0x7;
	v7 =	vadd.s32 v0, v4  }
0xb9: {  	v63 =	vmov s31  }
0xba: {  	v8 =	vand.u32 $0x7F, v63  }
0xbb: {  	v8 =	vbroadcast v8, $0x0  }
0xbc: {  	[tilespmem:v6+s19+$0x0] =	vst.idx.msk $0xffff, v5  }
0xbd: {  	v6 =	vor.u32 v0, v8;
	v5 =	vld.idx.msk [tilespmem:v7+s17+$0x0], $0xffff  }
0xbe: {  	v7 =	vadd.s32 v1, v4;
	_ =	sdelay $0x3  }
0xbf: {  	[tilespmem:v6+s19+$0x0] =	vst.idx.msk $0xffff, v5  }
0xc0: {  	v6 =	vor.u32 v1, v8;
	v5 =	vld.idx.msk [tilespmem:v7+s17+$0x0], $0xffff  }
0xc1: {  	v7 =	vadd.s32 v2, v4;
	_ =	sdelay $0x3  }
0xc2: {  	[tilespmem:v6+s19+$0x0] =	vst.idx.msk $0xffff, v5  }
0xc3: {  	v6 =	vor.u32 v2, v8;
	v5 =	vld.idx.msk [tilespmem:v7+s17+$0x0], $0xffff  }
0xc4: {  	v4 =	vadd.s32 v3, v4;
	_ =	sdelay $0x3  }
0xc5: {  	[tilespmem:v6+s19+$0x0] =	vst.idx.msk $0xffff, v5  }
0xc6: {  	s22 =	simm.s32 $0xF;
	s23 =	simm.s32 $0x0;
	v5 =	vor.u32 v3, v8;
	v4 =	vld.idx.msk [tilespmem:v4+s17+$0x0], $0xffff  }
.LBB2_2:
0xc7: {  	_ =	sdelay $0x2  }
0xc8: {  	p0 =	sne.s32 s22, $0x7F  }
0xc9: {  	s23 =	sadd.s32 $0x8, s23;
	s24 =	smov.u32 s22;
	s22 =	sadd.s32 $0x8, s22;
	[tilespmem:v5+s19+$0x0] =	vst.idx.msk $0xffff, v4  }
0xca: {  	v4 =	vld [tilespmem:s23+$0x0];
	_ =	sdelay $0x4  }
0xcb: {  	v5 =	vand.u32 $0xFFFFFF80, v4;
	v4 =	vand.u32 $0x7F, v4  }
0xcc: {  	v6 =	vnsel vm0, $0x0, v5;
	v7 =	vsel vm1, $0x0, v5;
	v8 =	vsel vm2, $0x0, v5  }
0xcd: {  	v9 =	vsel vm3, $0x0, v5;
	v10 =	vsel vm4, $0x0, v5;
	v11 =	vsel vm5, $0x0, v5;
	(xrf0) =	vadd.scan.msk.s32 $0xffff, v6  }
0xce: {  	v12 =	vsel vm6, $0x0, v5;
	v5 =	vsel vm7, $0x0, v5;
	v6 =	vnsel vm0, $0x0, v4;
	(xrf0) =	vadd.scan.msk.s32 $0xffff, v7  }
0xcf: {  	v13 =	vsel vm2, $0x0, v4;
	v14 =	vsel vm3, $0x0, v4;
	v7 =	vsel vm1, $0x0, v4;
	(xrf0) =	vadd.scan.msk.s32 $0xffff, v8  }
0xd0: {  	v15 =	vsel vm5, $0x0, v4;
	v16 =	vsel vm6, $0x0, v4;
	v8 =	vsel vm4, $0x0, v4;
	(xrf0) =	vadd.scan.msk.s32 $0xffff, v9  }
0xd1: {  	v4 =	vsel vm7, $0x0, v4;
	(xrf0) =	vadd.scan.msk.s32 $0xffff, v10  }
0xd2: {  	(xrf0) =	vadd.scan.msk.s32 $0xffff, v11  }
0xd3: {  	v9, _, _ =	vpop (xrf0);
	(xrf0) =	vadd.scan.msk.s32 $0xffff, v12  }
0xd4: {  	(v2sf) =	vpush v9, $0xF;
	v9, _, _ =	vpop (xrf0);
	(xrf0) =	vadd.scan.msk.s32 $0xffff, v5  }
0xd5: {  	(xrf0) =	vadd.scan.msk.s32 $0xffff, v6;
	(v2sf) =	vpush v9, $0xF;
	v5, _, _ =	vpop (xrf0)  }
0xd6: {  	(xrf0) =	vadd.scan.msk.s32 $0xffff, v7;
	(v2sf) =	vpush v5, $0xF;
	v5, _, _ =	vpop (xrf0)  }
0xd7: {  	(xrf0) =	vadd.scan.msk.s32 $0xffff, v13;
	v6, _, _ =	vpop (xrf0)  }
0xd8: {  	(xrf0) =	vadd.scan.msk.s32 $0xffff, v14;
	(v2sf) =	vpush v5, $0xF;
	v5, _, _ =	vpop (xrf0)  }
0xd9: {  	(xrf0) =	vadd.scan.msk.s32 $0xffff, v8;
	v7, _, _ =	vpop (xrf0)  }
0xda: {  	(v2sf) =	vpush v6, $0xF;
	(xrf0) =	vadd.scan.msk.s32 $0xffff, v15;
	v6, _, _ =	vpop (xrf0)  }
0xdb: {  	v8, _, _ =	vpop (xrf0);
	(xrf0) =	vadd.scan.msk.s32 $0xffff, v16  }
0xdc: {  	v11 =	vbroadcast v8, $0xF;
	v8, _, _ =	vpop (xrf0);
	(v2sf) =	vpush v5, $0xF;
	(xrf0) =	vadd.scan.msk.s32 $0xffff, v4  }
0xdd: {  	v10 =	vbroadcast v8, $0xF;
	v4, _, _ =	vpop (xrf0)  }
0xde: {  	v9 =	vbroadcast v4, $0xF;
	v4, _, _ =	vpop (xrf0);
	(v2sf) =	vpush v7, $0xF  }
0xdf: {  	v8 =	vbroadcast v4, $0xF;
	v4, _, _ =	vpop (xrf0)  }
0xe0: {  	v7 =	vbroadcast v4, $0xF;
	v4, _, _ =	vpop (xrf0);
	(v2sf) =	vpush v6, $0xF  }
0xe1: {  	v6 =	vbroadcast v4, $0xF;
	v4, _, _ =	vpop (xrf0)  }
0xe2: {  	v5 =	vbroadcast v4, $0xF;
	v4, _, _ =	vpop (xrf0)  }
0xe3: {  	v4 =	vbroadcast v4, $0xF;
	s25 =	spop (v2sf)  }
0xe4: {  	s25 =	sand.u32 $0xFFFFF80, s25;
	s26 =	spop (v2sf)  }
0xe5: {  	s25 =	sadd.s32 s1, s25;
	s26 =	sand.u32 $0xFFFFF80, s26;
	s28 =	spop (v2sf)  }
0xe6: {  	[tilespmem:s10], [sflag:$0x1] =	stream.strided.gather [hbm4b:s25+s8], $0x2000, s9, s8, $0x38;
	[tilespmem:$0x12100] =	vst v63  }
0xe7: {  	s25 =	sadd.s32 s1, s26;
	s26 =	sand.u32 $0xFFFFF80, s28;
	s28 =	spop (v2sf)  }
0xe8: {  	[tilespmem:s11], [sflag:$0x1] =	stream.strided.gather [hbm4b:s25+s8], $0x2000, s9, s8, $0x38;
	[tilespmem:$0x12100] =	vst v63  }
0xe9: {  	s25 =	sadd.s32 s1, s26;
	s26 =	sand.u32 $0xFFFFF80, s28;
	s28 =	spop (v2sf)  }
0xea: {  	[tilespmem:s12], [sflag:$0x1] =	stream.strided.gather [hbm4b:s25+s8], $0x2000, s9, s8, $0x38;
	[tilespmem:$0x12100] =	vst v63  }
0xeb: {  	s25 =	sadd.s32 s1, s26;
	s26 =	sand.u32 $0xFFFFF80, s28;
	s28 =	spop (v2sf)  }
0xec: {  	[tilespmem:s13], [sflag:$0x1] =	stream.strided.gather [hbm4b:s25+s8], $0x2000, s9, s8, $0x38;
	[tilespmem:$0x12100] =	vst v63  }
0xed: {  	s25 =	sadd.s32 s1, s26;
	s26 =	sand.u32 $0xFFFFF80, s28;
	s28 =	spop (v2sf)  }
0xee: {  	[tilespmem:s14], [sflag:$0x1] =	stream.strided.gather [hbm4b:s25+s8], $0x2000, s9, s8, $0x38;
	[tilespmem:$0x12100] =	vst v63  }
0xef: {  	s25 =	sadd.s32 s1, s26;
	s26 =	sand.u32 $0xFFFFF80, s28;
	s28 =	spop (v2sf)  }
0xf0: {  	[tilespmem:s15], [sflag:$0x1] =	stream.strided.gather [hbm4b:s25+s8], $0x2000, s9, s8, $0x38;
	[tilespmem:$0x12100] =	vst v63  }
0xf1: {  	s25 =	sadd.s32 s1, s26;
	s26 =	sand.u32 $0xFFFFF80, s28  }
0xf2: {  	[tilespmem:s16], [sflag:$0x1] =	stream.strided.gather [hbm4b:s25+s8], $0x2000, s9, s8, $0x38;
	[tilespmem:$0x12100] =	vst v63  }
0xf3: {  	s25 =	sadd.s32 s1, s26  }
0xf4: {  	[tilespmem:s17], [sflag:$0x1] =	stream.strided.gather [hbm4b:s25+s8], $0x2000, s9, s8, $0x38;
	[tilespmem:$0x12100] =	vst v63  }
0xf5: {  	_ =	swait.ge [sflag:s18], $0x2000  }
0xf6: {  	[sflag:s18] =	ssyncset.done $0x0  }
0xf7: {  	[sflag:s18] =	ssyncadd.s32 $0xFFFFE000  }
0xf8: {  	_ =	swait.ge [sflag:s18], $0x2000  }
0xf9: {  	[sflag:s18] =	ssyncset.done $0x0  }
0xfa: {  	[sflag:s18] =	ssyncadd.s32 $0xFFFFE000  }
0xfb: {  	_ =	swait.ge [sflag:s18], $0x2000  }
0xfc: {  	[sflag:s18] =	ssyncset.done $0x0  }
0xfd: {  	[sflag:s18] =	ssyncadd.s32 $0xFFFFE000  }
0xfe: {  	_ =	swait.ge [sflag:s18], $0x2000  }
0xff: {  	[sflag:s18] =	ssyncset.done $0x0  }
0x100: {  	[sflag:s18] =	ssyncadd.s32 $0xFFFFE000  }
0x101: {  	_ =	swait.ge [sflag:s18], $0x2000  }
0x102: {  	[sflag:s18] =	ssyncset.done $0x0  }
0x103: {  	[sflag:s18] =	ssyncadd.s32 $0xFFFFE000  }
0x104: {  	_ =	swait.ge [sflag:s18], $0x2000  }
0x105: {  	[sflag:s18] =	ssyncset.done $0x0  }
0x106: {  	[sflag:s18] =	ssyncadd.s32 $0xFFFFE000  }
0x107: {  	_ =	swait.ge [sflag:s18], $0x2000  }
0x108: {  	v12 =	vadd.s32 v0, v11;
	[sflag:s18] =	ssyncset.done $0x0  }
0x109: {  	s25 =	sadd.s32 $0xFFFFFFF9, s24;
	[sflag:s18] =	ssyncadd.s32 $0xFFFFE000  }
0x10a: {  	v13 =	vmov s25;
	_ =	swait.ge [sflag:s18], $0x2000  }
0x10b: {  	v13 =	vand.u32 $0x78, v13;
	[sflag:s18] =	ssyncset.done $0x0  }
0x10c: {  	v13 =	vbroadcast v13, $0x0;
	[sflag:s18] =	ssyncadd.s32 $0xFFFFE000  }
0x10d: {  	v12 =	vld.idx.msk [tilespmem:v12+s10+$0x0], $0xffff  }
0x10e: {  	v14 =	vor.u32 v0, v13  }
0x10f: {  	v15 =	vadd.s32 v1, v11;
	_ =	sdelay $0x3  }
0x110: {  	[tilespmem:v14+s19+$0x0] =	vst.idx.msk $0xffff, v12  }
0x111: {  	v12 =	vld.idx.msk [tilespmem:v15+s10+$0x0], $0xffff  }
0x112: {  	v14 =	vor.u32 v1, v13  }
0x113: {  	v15 =	vadd.s32 v2, v11;
	_ =	sdelay $0x3  }
0x114: {  	[tilespmem:v14+s19+$0x0] =	vst.idx.msk $0xffff, v12  }
0x115: {  	v12 =	vld.idx.msk [tilespmem:v15+s10+$0x0], $0xffff  }
0x116: {  	v14 =	vor.u32 v2, v13  }
0x117: {  	v11 =	vadd.s32 v3, v11;
	_ =	sdelay $0x3  }
0x118: {  	[tilespmem:v14+s19+$0x0] =	vst.idx.msk $0xffff, v12  }
0x119: {  	v11 =	vld.idx.msk [tilespmem:v11+s10+$0x0], $0xffff  }
0x11a: {  	v12 =	vor.u32 v3, v13  }
0x11b: {  	v13 =	vadd.s32 v0, v10  }
0x11c: {  	s25 =	sadd.s32 $0xFFFFFFFA, s24  }
0x11d: {  	v14 =	vmov s25  }
0x11e: {  	v14 =	vand.u32 $0x79, v14  }
0x11f: {  	[tilespmem:v12+s19+$0x0] =	vst.idx.msk $0xffff, v11;
	v11 =	vbroadcast v14, $0x0  }
0x120: {  	v12 =	vld.idx.msk [tilespmem:v13+s11+$0x0], $0xffff  }
0x121: {  	v13 =	vor.u32 v0, v11  }
0x122: {  	v14 =	vadd.s32 v1, v10;
	_ =	sdelay $0x3  }
0x123: {  	[tilespmem:v13+s19+$0x0] =	vst.idx.msk $0xffff, v12  }
0x124: {  	v12 =	vld.idx.msk [tilespmem:v14+s11+$0x0], $0xffff  }
0x125: {  	v13 =	vor.u32 v1, v11  }
0x126: {  	v14 =	vadd.s32 v2, v10;
	_ =	sdelay $0x3  }
0x127: {  	[tilespmem:v13+s19+$0x0] =	vst.idx.msk $0xffff, v12  }
0x128: {  	v12 =	vld.idx.msk [tilespmem:v14+s11+$0x0], $0xffff  }
0x129: {  	v13 =	vor.u32 v2, v11  }
0x12a: {  	v10 =	vadd.s32 v3, v10;
	_ =	sdelay $0x3  }
0x12b: {  	[tilespmem:v13+s19+$0x0] =	vst.idx.msk $0xffff, v12  }
0x12c: {  	v10 =	vld.idx.msk [tilespmem:v10+s11+$0x0], $0xffff  }
0x12d: {  	v11 =	vor.u32 v3, v11  }
0x12e: {  	v12 =	vadd.s32 v0, v9  }
0x12f: {  	s25 =	sadd.s32 $0xFFFFFFFB, s24  }
0x130: {  	v13 =	vmov s25  }
0x131: {  	v13 =	vand.u32 $0x7A, v13  }
0x132: {  	[tilespmem:v11+s19+$0x0] =	vst.idx.msk $0xffff, v10;
	v10 =	vbroadcast v13, $0x0  }
0x133: {  	v11 =	vld.idx.msk [tilespmem:v12+s12+$0x0], $0xffff  }
0x134: {  	v12 =	vor.u32 v0, v10  }
0x135: {  	v13 =	vadd.s32 v1, v9;
	_ =	sdelay $0x3  }
0x136: {  	[tilespmem:v12+s19+$0x0] =	vst.idx.msk $0xffff, v11  }
0x137: {  	v11 =	vld.idx.msk [tilespmem:v13+s12+$0x0], $0xffff  }
0x138: {  	v12 =	vor.u32 v1, v10  }
0x139: {  	v13 =	vadd.s32 v2, v9;
	_ =	sdelay $0x3  }
0x13a: {  	[tilespmem:v12+s19+$0x0] =	vst.idx.msk $0xffff, v11  }
0x13b: {  	v11 =	vld.idx.msk [tilespmem:v13+s12+$0x0], $0xffff  }
0x13c: {  	v12 =	vor.u32 v2, v10  }
0x13d: {  	v9 =	vadd.s32 v3, v9;
	_ =	sdelay $0x3  }
0x13e: {  	[tilespmem:v12+s19+$0x0] =	vst.idx.msk $0xffff, v11  }
0x13f: {  	v9 =	vld.idx.msk [tilespmem:v9+s12+$0x0], $0xffff  }
0x140: {  	v10 =	vor.u32 v3, v10  }
0x141: {  	v11 =	vadd.s32 v0, v8  }
0x142: {  	s25 =	sadd.s32 $0xFFFFFFFC, s24  }
0x143: {  	v12 =	vmov s25  }
0x144: {  	v12 =	vand.u32 $0x7B, v12  }
0x145: {  	[tilespmem:v10+s19+$0x0] =	vst.idx.msk $0xffff, v9;
	v9 =	vbroadcast v12, $0x0  }
0x146: {  	v10 =	vld.idx.msk [tilespmem:v11+s13+$0x0], $0xffff  }
0x147: {  	v11 =	vor.u32 v0, v9  }
0x148: {  	v12 =	vadd.s32 v1, v8;
	_ =	sdelay $0x3  }
0x149: {  	[tilespmem:v11+s19+$0x0] =	vst.idx.msk $0xffff, v10  }
0x14a: {  	v10 =	vld.idx.msk [tilespmem:v12+s13+$0x0], $0xffff  }
0x14b: {  	v11 =	vor.u32 v1, v9  }
0x14c: {  	v12 =	vadd.s32 v2, v8;
	_ =	sdelay $0x3  }
0x14d: {  	[tilespmem:v11+s19+$0x0] =	vst.idx.msk $0xffff, v10  }
0x14e: {  	v10 =	vld.idx.msk [tilespmem:v12+s13+$0x0], $0xffff  }
0x14f: {  	v11 =	vor.u32 v2, v9  }
0x150: {  	v8 =	vadd.s32 v3, v8;
	_ =	sdelay $0x3  }
0x151: {  	[tilespmem:v11+s19+$0x0] =	vst.idx.msk $0xffff, v10  }
0x152: {  	v8 =	vld.idx.msk [tilespmem:v8+s13+$0x0], $0xffff  }
0x153: {  	v9 =	vor.u32 v3, v9  }
0x154: {  	v10 =	vadd.s32 v0, v7  }
0x155: {  	s25 =	sadd.s32 $0xFFFFFFFD, s24  }
0x156: {  	v11 =	vmov s25  }
0x157: {  	v11 =	vand.u32 $0x7C, v11  }
0x158: {  	[tilespmem:v9+s19+$0x0] =	vst.idx.msk $0xffff, v8;
	v8 =	vbroadcast v11, $0x0  }
0x159: {  	v9 =	vld.idx.msk [tilespmem:v10+s14+$0x0], $0xffff  }
0x15a: {  	v10 =	vor.u32 v0, v8  }
0x15b: {  	v11 =	vadd.s32 v1, v7;
	_ =	sdelay $0x3  }
0x15c: {  	[tilespmem:v10+s19+$0x0] =	vst.idx.msk $0xffff, v9  }
0x15d: {  	v9 =	vld.idx.msk [tilespmem:v11+s14+$0x0], $0xffff  }
0x15e: {  	v10 =	vor.u32 v1, v8  }
0x15f: {  	v11 =	vadd.s32 v2, v7;
	_ =	sdelay $0x3  }
0x160: {  	[tilespmem:v10+s19+$0x0] =	vst.idx.msk $0xffff, v9  }
0x161: {  	v9 =	vld.idx.msk [tilespmem:v11+s14+$0x0], $0xffff  }
0x162: {  	v10 =	vor.u32 v2, v8  }
0x163: {  	v7 =	vadd.s32 v3, v7;
	_ =	sdelay $0x3  }
0x164: {  	[tilespmem:v10+s19+$0x0] =	vst.idx.msk $0xffff, v9  }
0x165: {  	v7 =	vld.idx.msk [tilespmem:v7+s14+$0x0], $0xffff  }
0x166: {  	v8 =	vor.u32 v3, v8  }
0x167: {  	v9 =	vadd.s32 v0, v6  }
0x168: {  	s25 =	sadd.s32 $0xFFFFFFFE, s24  }
0x169: {  	v10 =	vmov s25  }
0x16a: {  	v10 =	vand.u32 $0x7D, v10  }
0x16b: {  	[tilespmem:v8+s19+$0x0] =	vst.idx.msk $0xffff, v7;
	v7 =	vbroadcast v10, $0x0  }
0x16c: {  	v8 =	vld.idx.msk [tilespmem:v9+s15+$0x0], $0xffff  }
0x16d: {  	v9 =	vor.u32 v0, v7  }
0x16e: {  	v10 =	vadd.s32 v1, v6;
	_ =	sdelay $0x3  }
0x16f: {  	[tilespmem:v9+s19+$0x0] =	vst.idx.msk $0xffff, v8  }
0x170: {  	v8 =	vld.idx.msk [tilespmem:v10+s15+$0x0], $0xffff  }
0x171: {  	v9 =	vor.u32 v1, v7  }
0x172: {  	v10 =	vadd.s32 v2, v6;
	_ =	sdelay $0x3  }
0x173: {  	[tilespmem:v9+s19+$0x0] =	vst.idx.msk $0xffff, v8  }
0x174: {  	v8 =	vld.idx.msk [tilespmem:v10+s15+$0x0], $0xffff  }
0x175: {  	v9 =	vor.u32 v2, v7  }
0x176: {  	v6 =	vadd.s32 v3, v6;
	_ =	sdelay $0x3  }
0x177: {  	[tilespmem:v9+s19+$0x0] =	vst.idx.msk $0xffff, v8  }
0x178: {  	v6 =	vld.idx.msk [tilespmem:v6+s15+$0x0], $0xffff  }
0x179: {  	v7 =	vor.u32 v3, v7  }
0x17a: {  	v8 =	vadd.s32 v0, v5  }
0x17b: {  	s25 =	sadd.s32 $0xFFFFFFFF, s24  }
0x17c: {  	v9 =	vmov s25  }
0x17d: {  	v9 =	vand.u32 $0x7E, v9  }
0x17e: {  	[tilespmem:v7+s19+$0x0] =	vst.idx.msk $0xffff, v6;
	v6 =	vbroadcast v9, $0x0  }
0x17f: {  	v7 =	vld.idx.msk [tilespmem:v8+s16+$0x0], $0xffff  }
0x180: {  	v8 =	vor.u32 v0, v6  }
0x181: {  	v9 =	vadd.s32 v1, v5;
	_ =	sdelay $0x3  }
0x182: {  	[tilespmem:v8+s19+$0x0] =	vst.idx.msk $0xffff, v7  }
0x183: {  	v7 =	vld.idx.msk [tilespmem:v9+s16+$0x0], $0xffff  }
0x184: {  	v8 =	vor.u32 v1, v6  }
0x185: {  	v9 =	vadd.s32 v2, v5;
	_ =	sdelay $0x3  }
0x186: {  	[tilespmem:v8+s19+$0x0] =	vst.idx.msk $0xffff, v7  }
0x187: {  	v7 =	vld.idx.msk [tilespmem:v9+s16+$0x0], $0xffff  }
0x188: {  	v8 =	vor.u32 v2, v6  }
0x189: {  	v5 =	vadd.s32 v3, v5;
	_ =	sdelay $0x3  }
0x18a: {  	[tilespmem:v8+s19+$0x0] =	vst.idx.msk $0xffff, v7  }
0x18b: {  	v5 =	vld.idx.msk [tilespmem:v5+s16+$0x0], $0xffff  }
0x18c: {  	v6 =	vor.u32 v3, v6  }
0x18d: {  	v7 =	vadd.s32 v0, v4;
	_ =	sdelay $0x1  }
0x18e: {  	v8 =	vmov s24  }
0x18f: {  	v8 =	vand.u32 $0x7F, v8  }
0x190: {  	[tilespmem:v6+s19+$0x0] =	vst.idx.msk $0xffff, v5;
	v5 =	vbroadcast v8, $0x0  }
0x191: {  	v6 =	vld.idx.msk [tilespmem:v7+s17+$0x0], $0xffff  }
0x192: {  	v7 =	vor.u32 v0, v5  }
0x193: {  	v8 =	vadd.s32 v1, v4;
	_ =	sdelay $0x3  }
0x194: {  	[tilespmem:v7+s19+$0x0] =	vst.idx.msk $0xffff, v6  }
0x195: {  	v6 =	vld.idx.msk [tilespmem:v8+s17+$0x0], $0xffff  }
0x196: {  	v7 =	vor.u32 v1, v5  }
0x197: {  	v8 =	vadd.s32 v2, v4;
	_ =	sdelay $0x3  }
0x198: {  	[tilespmem:v7+s19+$0x0] =	vst.idx.msk $0xffff, v6  }
0x199: {  	v6 =	vld.idx.msk [tilespmem:v8+s17+$0x0], $0xffff  }
0x19a: {  	v7 =	vor.u32 v2, v5  }
0x19b: {  	v4 =	vadd.s32 v3, v4;
	_ =	sdelay $0x1  }
.Ltmp0:
0x19c: {  	(pc) =	sbr.rel @p0 .LBB2_2-.Ltmp0, $4  }
0x19d: {  	_ = 	snop  }
0x19e: {  	[tilespmem:v7+s19+$0x0] =	vst.idx.msk $0xffff, v6  }
0x19f: {  	v4 =	vld.idx.msk [tilespmem:v4+s17+$0x0], $0xffff  }
0x1a0: {  	v5 =	vor.u32 v3, v5  }
0x1a1: {  	_ =	sdelay $0x1  }
0x1a2: {  	s21 =	sadd.s32 $0x1, s21  }
0x1a3: {  	p0 =	sne.s32 s21, s6  }
.Ltmp1:
0x1a4: {  	[tilespmem:v5+s19+$0x0] =	vst.idx.msk $0xffff, v4;
	(pc) =	sbr.rel @p0 .LBB2_1-.Ltmp1, $4  }
0x1a5: {  	[hbm4b:s5+s8] =	stream.strided.scatter [tilespmem:s19], [sflag:$0x2], $0x2000, s20, s8, $0x38;
	[tilespmem:$0x12100] =	vst v63  }
0x1a6: {  	_ =	swait.ge [sflag:s7], $0x2000  }
0x1a7: {  	[sflag:s7] =	ssyncset.done $0x0  }
0x1a8: {  	[sflag:s7] =	ssyncadd.s32 $0xFFFFE000  }
0x1a9: {  	_ =	sfence.sel $0x180000  }
0x1aa: {  	[bflag:$0x0] =	sbarrier.arrive $0xFFFF  }
0x1ab: {  	p0 =	sne.s32 s2, $0x0;
	_ =	strace $0x90000047  }
0x1ac: {  	s0 =	sadd.s32 @!p0 $0x100000, s0;
	[bflag:$0x2] =	sbarrier.arrive $0xFFFF  }
0x1ad: {  	[sflag:s0] =	ssyncadd.tile.s32 @!p0 $0x1;
	_ =	shalt  }
.Lfunc_end2:
_tile_overlayer_lowered:
.L_overlay_start_2:
0x1ae: {  	(tag) =	ssettag $0x2  }
0x1af: {  	s0 =	rddreg [dreg:$0x0];
	s2 =	stileid.u32  }
0x1b0: {  	s1 =	rddreg [dreg:$0x1];
	p0 =	sne.s32 s2, $0x0  }
0x1b1: {  	s3 =	rddreg [dreg:$0x2];
	[bflag:$0x3] =	sbarrier.arrive $0xFFFF;
	s2 =	simm.s32 @!p0 $0x1C02  }
0x1b2: {  	[timem:s3], [sflag:s2] =	dma.local @!p0 [hbm:s0], s1  }
0x1b3: {  	s0 =	simm.s32 @!p0 $0x2  }
0x1b4: {  	_ =	swait.ge @!p0 [sflag:s0], s1  }
0x1b5: {  	s1 =	ssub.s32 @!p0 $0x0, s1;
	[sflag:s0] =	ssyncset.done @!p0 $0x0  }
0x1b6: {  	[sflag:s0] =	ssyncadd.s32 @!p0 s1  }
0x1b7: {  	[bflag:$0x3] =	sbarrier.arrive $0xFFFF  }
0x1b8: {  	_ =	shalt  }

</sc_bundles>
